<compile_context>
chip_gen: v7x
topology: tpu7x:2x2x1
jax: 0.10.2.dev20260603
libtpu: 0.0.44.dev20260713+nightly
codegen_flags: <defaults>
</compile_context>

<pallas_src>
import functools

import jax
import jax.numpy as jnp
from jax import lax
from jax.experimental import pallas as pl
from jax.experimental.pallas import tpu as pltpu
from jax.experimental.pallas import tpu_sc as plsc

T = 2048
HIDDEN = 768
NUM_EXPERTS = 8
INTER = 256
GROUP = 4
BLK = 128
NB = T // BLK + NUM_EXPERTS
ROWS = NB * BLK
TCHUNK = 256

_NC = 2
_NS = 16
_NW = _NC * _NS
TPW = T // _NW


def _dispatch_body(x_ref, gate_w_ref, bias_ref, dst_ref, w_ref, bexp_ref):
    x = x_ref[...]
    logits = lax.dot_general(x, gate_w_ref[...], (((1,), (1,)), ((), ())),
                             preferred_element_type=jnp.float32)
    scores = jax.nn.sigmoid(logits)
    scores_c = scores + bias_ref[...]

    def top2sum(s4):
        a, b, c, d = (s4[:, 0], s4[:, 1], s4[:, 2], s4[:, 3])
        return jnp.maximum(
            jnp.maximum(jnp.maximum(a + b, a + c), jnp.maximum(a + d, b + c)),
            jnp.maximum(b + d, c + d))

    g0 = top2sum(scores_c[:, 0:GROUP])
    g1 = top2sum(scores_c[:, GROUP:2 * GROUP])
    sel0 = (g0 >= g1).astype(jnp.float32)[:, None]
    lane = lax.broadcasted_iota(jnp.int32, (T, NUM_EXPERTS), 1)
    in_g0 = (lane < GROUP).astype(jnp.float32)
    maskf = sel0 * in_g0 + (1.0 - sel0) * (1.0 - in_g0)
    masked = scores_c * maskf - 1e9 * (1.0 - maskf)

    m = jnp.max(masked, axis=1, keepdims=True)
    eq = (masked == m).astype(jnp.float32)
    tri = (lax.broadcasted_iota(jnp.int32, (NUM_EXPERTS, NUM_EXPERTS), 0)
           < lax.broadcasted_iota(jnp.int32, (NUM_EXPERTS, NUM_EXPERTS), 1)
           ).astype(jnp.float32)
    prior = lax.dot_general(eq, tri, (((1,), (0,)), ((), ())),
                            preferred_element_type=jnp.float32)
    onehot = eq * (prior == 0.0).astype(jnp.float32)

    w = jnp.sum(onehot * scores, axis=1, keepdims=True)
    w_ref[...] = w / (w + 1e-20)

    counts = jnp.sum(onehot, axis=0, keepdims=True)
    blocks = jnp.floor((counts + (BLK - 1)) * (1.0 / BLK))
    srow = BLK * lax.dot_general(blocks, tri, (((1,), (0,)), ((), ())),
                                 preferred_element_type=jnp.float32)
    ends_blk = lax.dot_general(
        blocks, (lax.broadcasted_iota(jnp.int32, (NUM_EXPERTS, NUM_EXPERTS), 0)
                 <= lax.broadcasted_iota(jnp.int32, (NUM_EXPERTS, NUM_EXPERTS), 1)
                 ).astype(jnp.float32),
        (((1,), (0,)), ((), ())), preferred_element_type=jnp.float32)

    rc = lax.broadcasted_iota(jnp.int32, (TCHUNK, TCHUNK), 0)
    cc = lax.broadcasted_iota(jnp.int32, (TCHUNK, TCHUNK), 1)
    tril = (rc > cc).astype(jnp.float32)
    carry = jnp.zeros((1, NUM_EXPERTS), dtype=jnp.float32)
    for i in range(T // TCHUNK):
        oc = onehot[i * TCHUNK:(i + 1) * TCHUNK, :]
        rank = lax.dot_general(tril, oc, (((1,), (0,)), ((), ())),
                               preferred_element_type=jnp.float32) + carry
        dstc = jnp.sum(oc * (srow + rank), axis=1, keepdims=True)
        dst_ref[i * TCHUNK:(i + 1) * TCHUNK, :] = dstc.astype(jnp.int32)
        carry = carry + jnp.sum(oc, axis=0, keepdims=True)

    biota = lax.broadcasted_iota(jnp.int32, (BLK, NUM_EXPERTS), 0).astype(jnp.float32)
    ind = (biota >= ends_blk).astype(jnp.float32)
    bexp = jnp.minimum(jnp.sum(ind, axis=1, keepdims=True),
                       float(NUM_EXPERTS - 1))
    bexp_ref[...] = bexp.astype(jnp.int32)


def _dispatch(x, gate_w, bias_row):
    return pl.pallas_call(
        _dispatch_body,
        in_specs=[
            pl.BlockSpec((T, HIDDEN), lambda: (0, 0)),
            pl.BlockSpec((NUM_EXPERTS, HIDDEN), lambda: (0, 0)),
            pl.BlockSpec((1, NUM_EXPERTS), lambda: (0, 0)),
        ],
        out_specs=[
            pl.BlockSpec((T, 1), lambda: (0, 0)),
            pl.BlockSpec((T, 1), lambda: (0, 0)),
            pl.BlockSpec((BLK, 1), lambda: (0, 0)),
        ],
        out_shape=[
            jax.ShapeDtypeStruct((T, 1), jnp.int32),
            jax.ShapeDtypeStruct((T, 1), jnp.float32),
            jax.ShapeDtypeStruct((BLK, 1), jnp.int32),
        ],
    )(x, gate_w, bias_row)


def _sc_scatter_body(x_hbm, dst_hbm, xs_hbm, idx_v, rows_v, sem):
    wid = lax.axis_index("s") * _NC + lax.axis_index("c")
    base = wid * TPW
    pltpu.sync_copy(dst_hbm.at[pl.ds(base, TPW)], idx_v)
    pltpu.sync_copy(x_hbm.at[pl.ds(base, TPW)], rows_v)
    pltpu.async_copy(rows_v, xs_hbm.at[idx_v], sem).wait()




def _sc_gather_body(y_hbm, dst_hbm, rp_hbm, idx_v, rows_v, sem):
    wid = lax.axis_index("s") * _NC + lax.axis_index("c")
    base = wid * TPW
    pltpu.sync_copy(dst_hbm.at[pl.ds(base, TPW)], idx_v)
    pltpu.async_copy(y_hbm.at[idx_v], rows_v, sem).wait()
    pltpu.sync_copy(rows_v, rp_hbm.at[pl.ds(base, TPW)])


@functools.lru_cache(maxsize=None)
def _sc_kernels():
    mesh = plsc.VectorSubcoreMesh(core_axis_name="c", subcore_axis_name="s",
                                  num_cores=_NC, num_subcores=_NS)
    scratch = [
        pltpu.VMEM((TPW,), jnp.int32),
        pltpu.VMEM((TPW, HIDDEN), jnp.float32),
        pltpu.SemaphoreType.DMA,
    ]
    scatter = pl.kernel(
        _sc_scatter_body,
        out_type=jax.ShapeDtypeStruct((ROWS, HIDDEN), jnp.float32),
        mesh=mesh, scratch_types=scratch)
    gather = pl.kernel(
        _sc_gather_body,
        out_type=jax.ShapeDtypeStruct((T, HIDDEN), jnp.float32),
        mesh=mesh, scratch_types=scratch)
    return scatter, gather


def _sc_scatter(x, dst):
    return _sc_kernels()[0](x, dst)


def _sc_gather(y, dst):
    return _sc_kernels()[1](y, dst)


def _ffn_body(bexp_ref, xs_ref, wgu_ref, wd_ref, y_ref):
    del bexp_ref
    xb = xs_ref[...]
    gu = lax.dot_general(xb, wgu_ref[0], (((1,), (0,)), ((), ())),
                         preferred_element_type=jnp.float32)
    g = gu[:, :INTER]
    u = gu[:, INTER:]
    h = g * jax.nn.sigmoid(g) * u
    y_ref[...] = lax.dot_general(h, wd_ref[0], (((1,), (0,)), ((), ())),
                                 preferred_element_type=jnp.float32)


def _grouped_ffn(bexp, xs, w_gate_up, w_down):
    grid_spec = pltpu.PrefetchScalarGridSpec(
        num_scalar_prefetch=1,
        grid=(NB,),
        in_specs=[
            pl.BlockSpec((BLK, HIDDEN), lambda b, be: (b, 0)),
            pl.BlockSpec((1, HIDDEN, 2 * INTER), lambda b, be: (be[b], 0, 0)),
            pl.BlockSpec((1, INTER, HIDDEN), lambda b, be: (be[b], 0, 0)),
        ],
        out_specs=pl.BlockSpec((BLK, HIDDEN), lambda b, be: (b, 0)),
    )
    return pl.pallas_call(
        _ffn_body,
        grid_spec=grid_spec,
        out_shape=jax.ShapeDtypeStruct((ROWS, HIDDEN), jnp.float32),
    )(bexp, xs, w_gate_up, w_down)


def _shared_body(x_ref, sgu_ref, sd_ref, out_ref):
    xb = x_ref[...]
    sgu = lax.dot_general(xb, sgu_ref[...], (((1,), (0,)), ((), ())),
                          preferred_element_type=jnp.float32)
    sg = sgu[:, :INTER]
    su = sgu[:, INTER:]
    sh = sg * jax.nn.sigmoid(sg) * su
    out_ref[...] = lax.dot_general(sh, sd_ref[...], (((1,), (0,)), ((), ())),
                                   preferred_element_type=jnp.float32)


def _shared_ffn(x, shared_gate_up, shared_down):
    tb = 256
    return pl.pallas_call(
        _shared_body,
        grid=(T // tb,),
        in_specs=[
            pl.BlockSpec((tb, HIDDEN), lambda i: (i, 0)),
            pl.BlockSpec((HIDDEN, 2 * INTER), lambda i: (0, 0)),
            pl.BlockSpec((INTER, HIDDEN), lambda i: (0, 0)),
        ],
        out_specs=pl.BlockSpec((tb, HIDDEN), lambda i: (i, 0)),
        out_shape=jax.ShapeDtypeStruct((T, HIDDEN), jnp.float32),
    )(x, shared_gate_up, shared_down)


def _combine_body(sh_ref, rp_ref, w_ref, out_ref):
    out_ref[...] = sh_ref[...] + w_ref[...] * rp_ref[...]


def _combine(shared, rp, wcol):
    tb = 512
    return pl.pallas_call(
        _combine_body,
        grid=(T // tb,),
        in_specs=[
            pl.BlockSpec((tb, HIDDEN), lambda i: (i, 0)),
            pl.BlockSpec((tb, HIDDEN), lambda i: (i, 0)),
            pl.BlockSpec((tb, 1), lambda i: (i, 0)),
        ],
        out_specs=pl.BlockSpec((tb, HIDDEN), lambda i: (i, 0)),
        out_shape=jax.ShapeDtypeStruct((T, HIDDEN), jnp.float32),
    )(shared, rp, wcol)


def kernel(hidden_states, gate_w, correction_bias, w_gate_up, w_down,
           shared_gate_up, shared_down):
    bias_row = correction_bias.reshape(1, NUM_EXPERTS)
    dst2, wcol, bexp_col = _dispatch(hidden_states, gate_w, bias_row)
    dst = dst2.reshape(T)
    bexp = bexp_col.reshape(BLK)[:NB]
    xs = _sc_scatter(hidden_states, dst)
    y = _grouped_ffn(bexp, xs, w_gate_up, w_down)
    shared = _shared_ffn(hidden_states, shared_gate_up, shared_down)
    rp = _sc_gather(y, dst)
    return _combine(shared, rp, wcol)

# --- scband reference (transcript-rebuilt; emitter-appended) ---
"""Pipeline reference for scband-exaone-mo-edecoder-layer-26620207301234 (READ-ONLY COPY).

The authoritative reference and input builder live on the scoring server;
editing this copy changes nothing except your own understanding.
"""

import jax, jax.numpy as jnp
import numpy as np

T = 2048
HIDDEN = 768
NUM_EXPERTS = 8
TOP_K = 1
N_GROUP = 2
TOPK_GROUP = 1
INTER = 256
N_SHARED = 1
ROUTED_SCALE = 1.0
NORM_TOPK = True


def setup_inputs(seed: int = 0) -> dict:
    key = jax.random.key(seed)
    ks = jax.random.split(key, 8)
    x = jax.random.normal(ks[0], (T, HIDDEN), dtype=jnp.float32)
    gate_w = jax.random.normal(ks[1], (NUM_EXPERTS, HIDDEN), dtype=jnp.float32) * 0.02
    correction_bias = jax.random.normal(ks[2], (NUM_EXPERTS,), dtype=jnp.float32) * 0.02
    w_gate_up = jax.random.normal(ks[3], (NUM_EXPERTS, HIDDEN, 2 * INTER), dtype=jnp.float32) * 0.02
    w_down = jax.random.normal(ks[4], (NUM_EXPERTS, INTER, HIDDEN), dtype=jnp.float32) * 0.02
    shared_gate_up = jax.random.normal(ks[5], (HIDDEN, 2 * INTER * N_SHARED), dtype=jnp.float32) * 0.02
    shared_down = jax.random.normal(ks[6], (INTER * N_SHARED, HIDDEN), dtype=jnp.float32) * 0.02
    return {
        'hidden_states': x,
        'gate_w': gate_w,
        'correction_bias': correction_bias,
        'w_gate_up': w_gate_up,
        'w_down': w_down,
        'shared_gate_up': shared_gate_up,
        'shared_down': shared_down,
    }


def _moe_block(x, gate_w, correction_bias, w_gate_up, w_down, shared_gate_up, shared_down):
    t = x.shape[0]
    e = NUM_EXPERTS
    # Router: sigmoid scoring with e_score_correction_bias (DeepSeek/Exaone style grouped top-k)
    logits = x @ gate_w.T                       # [T, E]
    scores = jax.nn.sigmoid(logits)             # [T, E]
    scores_c = scores + correction_bias[None, :]
    # group scores = sum of top-2 corrected scores within each group
    grp = scores_c.reshape(t, N_GROUP, e // N_GROUP)
    group_scores = jax.lax.top_k(grp, 2)[0].sum(axis=-1)      # [T, n_group]
    _, gidx = jax.lax.top_k(group_scores, TOPK_GROUP)         # [T, topk_group]
    group_mask = jnp.zeros((t, N_GROUP), dtype=jnp.float32).at[jnp.arange(t)[:, None], gidx].set(1.0)
    expert_mask = jnp.repeat(group_mask, e // N_GROUP, axis=1)  # [T, E]
    masked = jnp.where(expert_mask > 0, scores_c, -1e9)
    _, topi = jax.lax.top_k(masked, TOP_K)                    # [T, top_k]
    # routing weights come from the ORIGINAL (un-corrected) sigmoid scores
    w = jnp.take_along_axis(scores, topi, axis=1)             # [T, top_k]
    if NORM_TOPK:
        w = w / (jnp.sum(w, axis=-1, keepdims=True) + 1e-20)  # RenormalizeNaive
    w = w * ROUTED_SCALE                                      # apply_routed_scaling_factor_on_output
    # combine weights as dense [T, E] via scatter-add (maps to SparseCore dispatch)
    combine = jnp.zeros((t, e), dtype=jnp.float32).at[jnp.arange(t)[:, None], topi].add(w)
    # expert FFNs (SwiGLU): dense-over-experts compute, masked combine (math-equivalent to sparse dispatch)
    gu = jnp.einsum('td,edf->tef', x, w_gate_up)              # [T, E, 2*INTER]
    g, u = jnp.split(gu, 2, axis=-1)
    h = jax.nn.silu(g) * u                                    # [T, E, INTER]
    eo = jnp.einsum('tef,efd->ted', h, w_down)                # [T, E, HIDDEN]
    routed = jnp.einsum('te,ted->td', combine, eo)            # [T, HIDDEN]
    # shared experts (always-on dense MLP, SwiGLU)
    sgu = x @ shared_gate_up
    sg, su = jnp.split(sgu, 2, axis=-1)
    shared = (jax.nn.silu(sg) * su) @ shared_down
    return routed + shared


def reference(hidden_states, gate_w, correction_bias, w_gate_up, w_down, shared_gate_up, shared_down):
    return _moe_block(hidden_states, gate_w, correction_bias, w_gate_up, w_down, shared_gate_up, shared_down)

if __name__ == "__main__":
    import jax
    _d = setup_inputs()
    print(jax.jit(kernel)(*tuple(_d.values())))

</pallas_src>

<mosaic_0001>
#map = affine_map<(d0, d1) -> (0, 0)>
#map1 = affine_map<(d0, d1) -> (0)>
module attributes {stable_mosaic.version = 14 : i64} {
  func.func @_sc_scatter_body(%arg0: i32, %arg1: i32, %arg2: memref<2048x768xf32, #tpu.memory_space<hbm>>, %arg3: memref<2048xi32, #tpu.memory_space<hbm>>, %arg4: memref<3072x768xf32, #tpu.memory_space<hbm>>, %arg5: memref<64xi32, #tpu.memory_space<vmem>>, %arg6: memref<64x768xf32, #tpu.memory_space<vmem>>, %arg7: memref<!tpu.dma_semaphore, #tpu.memory_space<semaphore_mem>>) attributes {dimension_semantics = [#tpu.dimension_semantics<core_parallel>, #tpu.dimension_semantics<subcore_parallel>], iteration_bounds = array<i64: 2, 16>, scalar_prefetch = 0 : i64, scratch_operands = 3 : i64, tpu.core_type = #tpu.core_type<sc_vector_subcore>, window_params = [{transform_indices = #map}, {transform_indices = #map1}, {transform_indices = #map}]} {
    %mul3A = arith.constant 2 : i32
    %mul3A_0 = arith.muli %arg1, %mul3A : i32
    %add3A = arith.addi %mul3A_0, %arg0 : i32
    %mul3A_1 = arith.constant 64 : i32
    %mul3A_2 = arith.muli %add3A, %mul3A_1 : i32
    "tpu.region"() ({
      %run_scoped3A = tpu.sem_alloc : memref<!tpu.dma_semaphore, #tpu.memory_space<semaphore_mem>>
      %dma_start3A_7 = tpu.memref_slice %arg3[%mul3A_2] : memref<2048xi32, #tpu.memory_space<hbm>> -> memref<64xi32, #tpu.memory_space<hbm>>
      %dma_start3A_8 = tpu.memref_slice %arg3[%mul3A_2] : memref<2048xi32, #tpu.memory_space<hbm>> -> memref<64xi32, #tpu.memory_space<hbm>>
      tpu.enqueue_dma source(%dma_start3A_8 : memref<64xi32, #tpu.memory_space<hbm>>) target(%arg5 : memref<64xi32, #tpu.memory_space<vmem>>) target_semaphore(%run_scoped3A : memref<!tpu.dma_semaphore, #tpu.memory_space<semaphore_mem>>)
      %dma_wait3A_9 = tpu.memref_slice %arg3[%mul3A_2] : memref<2048xi32, #tpu.memory_space<hbm>> -> memref<64xi32, #tpu.memory_space<hbm>>
      %dma_wait3A_10 = tpu.memref_slice %arg3[%mul3A_2] : memref<2048xi32, #tpu.memory_space<hbm>> -> memref<64xi32, #tpu.memory_space<hbm>>
      tpu.wait_dma2 semaphore(%run_scoped3A : memref<!tpu.dma_semaphore, #tpu.memory_space<semaphore_mem>>) src(%dma_wait3A_10 : memref<64xi32, #tpu.memory_space<hbm>>) dst(%arg5 : memref<64xi32, #tpu.memory_space<vmem>>)
      tpu.yield
    }) : () -> ()
    "tpu.region"() ({
      %run_scoped3A = tpu.sem_alloc : memref<!tpu.dma_semaphore, #tpu.memory_space<semaphore_mem>>
      %dma_start3A_7 = arith.constant 0 : i32
      %dma_start3A_8 = tpu.memref_slice %arg2[%mul3A_2, %dma_start3A_7] : memref<2048x768xf32, #tpu.memory_space<hbm>> -> memref<64x768xf32, #tpu.memory_space<hbm>>
      %dma_start3A_9 = arith.constant 0 : i32
      %dma_start3A_10 = tpu.memref_slice %arg2[%mul3A_2, %dma_start3A_9] : memref<2048x768xf32, #tpu.memory_space<hbm>> -> memref<64x768xf32, #tpu.memory_space<hbm>>
      tpu.enqueue_dma source(%dma_start3A_10 : memref<64x768xf32, #tpu.memory_space<hbm>>) target(%arg6 : memref<64x768xf32, #tpu.memory_space<vmem>>) target_semaphore(%run_scoped3A : memref<!tpu.dma_semaphore, #tpu.memory_space<semaphore_mem>>)
      %dma_wait3A_11 = arith.constant 0 : i32
      %dma_wait3A_12 = tpu.memref_slice %arg2[%mul3A_2, %dma_wait3A_11] : memref<2048x768xf32, #tpu.memory_space<hbm>> -> memref<64x768xf32, #tpu.memory_space<hbm>>
      %dma_wait3A_13 = arith.constant 0 : i32
      %dma_wait3A_14 = tpu.memref_slice %arg2[%mul3A_2, %dma_wait3A_13] : memref<2048x768xf32, #tpu.memory_space<hbm>> -> memref<64x768xf32, #tpu.memory_space<hbm>>
      tpu.wait_dma2 semaphore(%run_scoped3A : memref<!tpu.dma_semaphore, #tpu.memory_space<semaphore_mem>>) src(%dma_wait3A_14 : memref<64x768xf32, #tpu.memory_space<hbm>>) dst(%arg6 : memref<64x768xf32, #tpu.memory_space<vmem>>)
      tpu.yield
    }) : () -> ()
    %dma_start3A = arith.constant 0 : i32
    %dma_start3A_3 = arith.constant 0 : i32
    %dma_start3A_4 = tpu.memref_slice %arg4[%dma_start3A, %dma_start3A_3] : memref<3072x768xf32, #tpu.memory_space<hbm>> -> memref<3072x768xf32, #tpu.memory_space<hbm>>
    tpu.enqueue_indirect_dma source(%arg6 : memref<64x768xf32, #tpu.memory_space<vmem>>) target(%dma_start3A_4 : memref<3072x768xf32, #tpu.memory_space<hbm>>) offsets(%arg5 : memref<64xi32, #tpu.memory_space<vmem>>) semaphore(%arg7 : memref<!tpu.dma_semaphore, #tpu.memory_space<semaphore_mem>>)
    %dma_wait3A = arith.constant 0 : i32
    %dma_wait3A_5 = arith.constant 0 : i32
    %dma_wait3A_6 = tpu.memref_slice %arg4[%dma_wait3A, %dma_wait3A_5] : memref<3072x768xf32, #tpu.memory_space<hbm>> -> memref<3072x768xf32, #tpu.memory_space<hbm>>
    tpu.wait_indirect_dma semaphore(%arg7 : memref<!tpu.dma_semaphore, #tpu.memory_space<semaphore_mem>>) src(%arg6 : memref<64x768xf32, #tpu.memory_space<vmem>>) dst(%dma_wait3A_6 : memref<3072x768xf32, #tpu.memory_space<hbm>>)
    return
  }
}

#map = affine_map<(d0, d1) -> (0, 0)>
#map1 = affine_map<(d0, d1) -> (0)>
module attributes {stable_mosaic.version = 14 : i64} {
  func.func @_sc_gather_body(%arg0: i32, %arg1: i32, %arg2: memref<3072x768xf32, #tpu.memory_space<hbm>>, %arg3: memref<2048xi32, #tpu.memory_space<hbm>>, %arg4: memref<2048x768xf32, #tpu.memory_space<hbm>>, %arg5: memref<64xi32, #tpu.memory_space<vmem>>, %arg6: memref<64x768xf32, #tpu.memory_space<vmem>>, %arg7: memref<!tpu.dma_semaphore, #tpu.memory_space<semaphore_mem>>) attributes {dimension_semantics = [#tpu.dimension_semantics<core_parallel>, #tpu.dimension_semantics<subcore_parallel>], iteration_bounds = array<i64: 2, 16>, scalar_prefetch = 0 : i64, scratch_operands = 3 : i64, tpu.core_type = #tpu.core_type<sc_vector_subcore>, window_params = [{transform_indices = #map}, {transform_indices = #map1}, {transform_indices = #map}]} {
    %mul3A = arith.constant 2 : i32
    %mul3A_0 = arith.muli %arg1, %mul3A : i32
    %add3A = arith.addi %mul3A_0, %arg0 : i32
    %mul3A_1 = arith.constant 64 : i32
    %mul3A_2 = arith.muli %add3A, %mul3A_1 : i32
    "tpu.region"() ({
      %run_scoped3A = tpu.sem_alloc : memref<!tpu.dma_semaphore, #tpu.memory_space<semaphore_mem>>
      %dma_start3A_7 = tpu.memref_slice %arg3[%mul3A_2] : memref<2048xi32, #tpu.memory_space<hbm>> -> memref<64xi32, #tpu.memory_space<hbm>>
      %dma_start3A_8 = tpu.memref_slice %arg3[%mul3A_2] : memref<2048xi32, #tpu.memory_space<hbm>> -> memref<64xi32, #tpu.memory_space<hbm>>
      tpu.enqueue_dma source(%dma_start3A_8 : memref<64xi32, #tpu.memory_space<hbm>>) target(%arg5 : memref<64xi32, #tpu.memory_space<vmem>>) target_semaphore(%run_scoped3A : memref<!tpu.dma_semaphore, #tpu.memory_space<semaphore_mem>>)
      %dma_wait3A_9 = tpu.memref_slice %arg3[%mul3A_2] : memref<2048xi32, #tpu.memory_space<hbm>> -> memref<64xi32, #tpu.memory_space<hbm>>
      %dma_wait3A_10 = tpu.memref_slice %arg3[%mul3A_2] : memref<2048xi32, #tpu.memory_space<hbm>> -> memref<64xi32, #tpu.memory_space<hbm>>
      tpu.wait_dma2 semaphore(%run_scoped3A : memref<!tpu.dma_semaphore, #tpu.memory_space<semaphore_mem>>) src(%dma_wait3A_10 : memref<64xi32, #tpu.memory_space<hbm>>) dst(%arg5 : memref<64xi32, #tpu.memory_space<vmem>>)
      tpu.yield
    }) : () -> ()
    %dma_start3A = arith.constant 0 : i32
    %dma_start3A_3 = arith.constant 0 : i32
    %dma_start3A_4 = tpu.memref_slice %arg2[%dma_start3A, %dma_start3A_3] : memref<3072x768xf32, #tpu.memory_space<hbm>> -> memref<3072x768xf32, #tpu.memory_space<hbm>>
    tpu.enqueue_indirect_dma source(%dma_start3A_4 : memref<3072x768xf32, #tpu.memory_space<hbm>>) target(%arg6 : memref<64x768xf32, #tpu.memory_space<vmem>>) offsets(%arg5 : memref<64xi32, #tpu.memory_space<vmem>>) semaphore(%arg7 : memref<!tpu.dma_semaphore, #tpu.memory_space<semaphore_mem>>)
    %dma_wait3A = arith.constant 0 : i32
    %dma_wait3A_5 = arith.constant 0 : i32
    %dma_wait3A_6 = tpu.memref_slice %arg2[%dma_wait3A, %dma_wait3A_5] : memref<3072x768xf32, #tpu.memory_space<hbm>> -> memref<3072x768xf32, #tpu.memory_space<hbm>>
    tpu.wait_indirect_dma semaphore(%arg7 : memref<!tpu.dma_semaphore, #tpu.memory_space<semaphore_mem>>) src(%dma_wait3A_6 : memref<3072x768xf32, #tpu.memory_space<hbm>>) dst(%arg6 : memref<64x768xf32, #tpu.memory_space<vmem>>)
    "tpu.region"() ({
      %run_scoped3A = tpu.sem_alloc : memref<!tpu.dma_semaphore, #tpu.memory_space<semaphore_mem>>
      %dma_start3A_7 = arith.constant 0 : i32
      %dma_start3A_8 = tpu.memref_slice %arg4[%mul3A_2, %dma_start3A_7] : memref<2048x768xf32, #tpu.memory_space<hbm>> -> memref<64x768xf32, #tpu.memory_space<hbm>>
      %dma_start3A_9 = arith.constant 0 : i32
      %dma_start3A_10 = tpu.memref_slice %arg4[%mul3A_2, %dma_start3A_9] : memref<2048x768xf32, #tpu.memory_space<hbm>> -> memref<64x768xf32, #tpu.memory_space<hbm>>
      tpu.enqueue_dma source(%arg6 : memref<64x768xf32, #tpu.memory_space<vmem>>) target(%dma_start3A_10 : memref<64x768xf32, #tpu.memory_space<hbm>>) target_semaphore(%run_scoped3A : memref<!tpu.dma_semaphore, #tpu.memory_space<semaphore_mem>>)
      %dma_wait3A_11 = arith.constant 0 : i32
      %dma_wait3A_12 = tpu.memref_slice %arg4[%mul3A_2, %dma_wait3A_11] : memref<2048x768xf32, #tpu.memory_space<hbm>> -> memref<64x768xf32, #tpu.memory_space<hbm>>
      %dma_wait3A_13 = arith.constant 0 : i32
      %dma_wait3A_14 = tpu.memref_slice %arg4[%mul3A_2, %dma_wait3A_13] : memref<2048x768xf32, #tpu.memory_space<hbm>> -> memref<64x768xf32, #tpu.memory_space<hbm>>
      tpu.wait_dma2 semaphore(%run_scoped3A : memref<!tpu.dma_semaphore, #tpu.memory_space<semaphore_mem>>) src(%arg6 : memref<64x768xf32, #tpu.memory_space<vmem>>) dst(%dma_wait3A_14 : memref<64x768xf32, #tpu.memory_space<hbm>>)
      tpu.yield
    }) : () -> ()
    return
  }
}

module attributes {stable_mosaic.version = 14 : i64} {
  func.func @_ffn_body(%arg0: i32, %arg1: memref<24xi32, #tpu.memory_space<smem>>, %arg2: memref<128x768xf32, #tpu.memory_space<vmem>>, %arg3: memref<1x768x512xf32, #tpu.memory_space<vmem>>, %arg4: memref<1x256x768xf32, #tpu.memory_space<vmem>>, %arg5: memref<128x768xf32, #tpu.memory_space<vmem>>) attributes {dimension_semantics = [#tpu.dimension_semantics<arbitrary>], iteration_bounds = array<i64: 24>, scalar_prefetch = 1 : i64, scratch_operands = 0 : i64, tpu.core_type = #tpu.core_type<tc>, window_params = [{transform_indices = @transform_0, window_bounds = array<i64: 128, 768>}, {transform_indices = @transform_1, window_bounds = array<i64: 1, 768, 512>}, {transform_indices = @transform_2, window_bounds = array<i64: 1, 256, 768>}, {transform_indices = @transform_3, window_bounds = array<i64: 128, 768>}]} {
    %get3A = arith.constant 0 : index
    %get3A_0 = arith.constant 0 : index
    %get3A_1 = vector.load %arg2[%get3A, %get3A_0] : memref<128x768xf32, #tpu.memory_space<vmem>>, vector<128x768xf32>
    %get3A_2 = arith.constant 0 : index
    %get3A_3 = arith.constant 0 : index
    %get3A_4 = arith.constant 0 : index
    %get3A_5 = vector.load %arg3[%get3A_2, %get3A_3, %get3A_4] : memref<1x768x512xf32, #tpu.memory_space<vmem>>, vector<1x768x512xf32>
    %get3A_6 = vector.shape_cast %get3A_5 : vector<1x768x512xf32> to vector<768x512xf32>
    %dot_general3A = arith.constant dense<0.000000e+00> : vector<128x512xf32>
    %dot_general3A_7 = tpu.matmul %get3A_1, %get3A_6, %dot_general3A {dimension_numbers = #tpu.dot_dimension_numbers<[1], [0], [0], [1], [0, 0, 1, 1], [], []>, transpose_lhs_hint = false} : vector<128x768xf32>, vector<768x512xf32>, vector<128x512xf32> -> vector<128x512xf32>
    %slice3A = vector.extract_strided_slice %dot_general3A_7 {offsets = [0, 0], sizes = [128, 256], strides = [1, 1]} : vector<128x512xf32> to vector<128x256xf32>
    %slice3A_8 = vector.extract_strided_slice %dot_general3A_7 {offsets = [0, 256], sizes = [128, 256], strides = [1, 1]} : vector<128x512xf32> to vector<128x256xf32>
    %logistic3A = arith.negf %slice3A : vector<128x256xf32>
    %logistic3A_9 = math.exp %logistic3A : vector<128x256xf32>
    %logistic3A_10 = arith.constant 1.000000e+00 : f32
    %logistic3A_11 = vector.broadcast %logistic3A_10 : f32 to vector<128x256xf32>
    %logistic3A_12 = arith.addf %logistic3A_11, %logistic3A_9 : vector<128x256xf32>
    %logistic3A_13 = arith.divf %logistic3A_11, %logistic3A_12 : vector<128x256xf32>
    %mul3A = arith.mulf %slice3A, %logistic3A_13 : vector<128x256xf32>
    %mul3A_14 = arith.mulf %mul3A, %slice3A_8 : vector<128x256xf32>
    %get3A_15 = arith.constant 0 : index
    %get3A_16 = arith.constant 0 : index
    %get3A_17 = arith.constant 0 : index
    %get3A_18 = vector.load %arg4[%get3A_15, %get3A_16, %get3A_17] : memref<1x256x768xf32, #tpu.memory_space<vmem>>, vector<1x256x768xf32>
    %get3A_19 = vector.shape_cast %get3A_18 : vector<1x256x768xf32> to vector<256x768xf32>
    %dot_general3A_20 = arith.constant dense<0.000000e+00> : vector<128x768xf32>
    %dot_general3A_21 = tpu.matmul %mul3A_14, %get3A_19, %dot_general3A_20 {dimension_numbers = #tpu.dot_dimension_numbers<[1], [0], [0], [1], [0, 0, 1, 1], [], []>, transpose_lhs_hint = false} : vector<128x256xf32>, vector<256x768xf32>, vector<128x768xf32> -> vector<128x768xf32>
    %swap3A = arith.constant 0 : index
    %swap3A_22 = arith.constant 0 : index
    %swap3A_23 = vector.load %arg5[%swap3A, %swap3A_22] : memref<128x768xf32, #tpu.memory_space<vmem>>, vector<128x768xf32>
    tpu.vector_store %arg5[%swap3A, %swap3A_22], %dot_general3A_21 {strides = array<i32>} : memref<128x768xf32, #tpu.memory_space<vmem>>, vector<128x768xf32>,
    return
  }
  func.func @transform_0(%arg0: i32, %arg1: memref<24xi32, #tpu.memory_space<smem>>) -> (i32, i32) {
    %c0_i32 = arith.constant 0 : i32
    %c0_i32_0 = arith.constant 0 : i32
    return %arg0, %c0_i32 : i32, i32
  }
  func.func @transform_1(%arg0: i32, %arg1: memref<24xi32, #tpu.memory_space<smem>>) -> (i32, i32, i32) {
    %get3A = arith.index_cast %arg0 : i32 to index
    %get3A_0 = memref.load %arg1[%get3A] : memref<24xi32, #tpu.memory_space<smem>>
    %c0_i32 = arith.constant 0 : i32
    %c0_i32_1 = arith.constant 0 : i32
    %c0_i32_2 = arith.constant 0 : i32
    return %get3A_0, %c0_i32, %c0_i32_1 : i32, i32, i32
  }
  func.func @transform_2(%arg0: i32, %arg1: memref<24xi32, #tpu.memory_space<smem>>) -> (i32, i32, i32) {
    %get3A = arith.index_cast %arg0 : i32 to index
    %get3A_0 = memref.load %arg1[%get3A] : memref<24xi32, #tpu.memory_space<smem>>
    %c0_i32 = arith.constant 0 : i32
    %c0_i32_1 = arith.constant 0 : i32
    %c0_i32_2 = arith.constant 0 : i32
    return %get3A_0, %c0_i32, %c0_i32_1 : i32, i32, i32
  }
  func.func @transform_3(%arg0: i32, %arg1: memref<24xi32, #tpu.memory_space<smem>>) -> (i32, i32) {
    %c0_i32 = arith.constant 0 : i32
    %c0_i32_0 = arith.constant 0 : i32
    return %arg0, %c0_i32 : i32, i32
  }
}

module attributes {stable_mosaic.version = 14 : i64} {
  func.func @_dispatch_body(%arg0: memref<2048x768xf32, #tpu.memory_space<vmem>>, %arg1: memref<8x768xf32, #tpu.memory_space<vmem>>, %arg2: memref<1x8xf32, #tpu.memory_space<vmem>>, %arg3: memref<2048x1xi32, #tpu.memory_space<vmem>>, %arg4: memref<2048x1xf32, #tpu.memory_space<vmem>>, %arg5: memref<128x1xi32, #tpu.memory_space<vmem>>) attributes {dimension_semantics = [], scalar_prefetch = 0 : i64, scratch_operands = 0 : i64, tpu.core_type = #tpu.core_type<tc>} {
    %get3A = arith.constant 0 : index
    %get3A_0 = arith.constant 0 : index
    %get3A_1 = vector.load %arg0[%get3A, %get3A_0] : memref<2048x768xf32, #tpu.memory_space<vmem>>, vector<2048x768xf32>
    %get3A_2 = arith.constant 0 : index
    %get3A_3 = arith.constant 0 : index
    %get3A_4 = vector.load %arg1[%get3A_2, %get3A_3] : memref<8x768xf32, #tpu.memory_space<vmem>>, vector<8x768xf32>
    %dot_general3A = arith.constant dense<0.000000e+00> : vector<2048x8xf32>
    %dot_general3A_5 = tpu.matmul %get3A_1, %get3A_4, %dot_general3A {dimension_numbers = #tpu.dot_dimension_numbers<[1], [1], [0], [0], [0, 0, 1, 0], [], []>, transpose_lhs_hint = false} : vector<2048x768xf32>, vector<8x768xf32>, vector<2048x8xf32> -> vector<2048x8xf32>
    %logistic3A = arith.negf %dot_general3A_5 : vector<2048x8xf32>
    %logistic3A_6 = math.exp %logistic3A : vector<2048x8xf32>
    %logistic3A_7 = arith.constant 1.000000e+00 : f32
    %logistic3A_8 = vector.broadcast %logistic3A_7 : f32 to vector<2048x8xf32>
    %logistic3A_9 = arith.addf %logistic3A_8, %logistic3A_6 : vector<2048x8xf32>
    %logistic3A_10 = arith.divf %logistic3A_8, %logistic3A_9 : vector<2048x8xf32>
    %get3A_11 = arith.constant 0 : index
    %get3A_12 = arith.constant 0 : index
    %get3A_13 = vector.load %arg2[%get3A_11, %get3A_12] : memref<1x8xf32, #tpu.memory_space<vmem>>, vector<1x8xf32>
    %add3A = vector.broadcast %get3A_13 : vector<1x8xf32> to vector<2048x8xf32>
    %add3A_14 = arith.addf %logistic3A_10, %add3A : vector<2048x8xf32>
    %slice3A = vector.extract_strided_slice %add3A_14 {offsets = [0, 0], sizes = [2048, 4], strides = [1, 1]} : vector<2048x8xf32> to vector<2048x4xf32>
    %slice3A_15 = vector.extract_strided_slice %slice3A {offsets = [0, 0], sizes = [2048, 1], strides = [1, 1]} : vector<2048x4xf32> to vector<2048x1xf32>
    %squeeze3A = vector.shape_cast %slice3A_15 : vector<2048x1xf32> to vector<2048xf32>
    %slice3A_16 = vector.extract_strided_slice %slice3A {offsets = [0, 1], sizes = [2048, 1], strides = [1, 1]} : vector<2048x4xf32> to vector<2048x1xf32>
    %squeeze3A_17 = vector.shape_cast %slice3A_16 : vector<2048x1xf32> to vector<2048xf32>
    %slice3A_18 = vector.extract_strided_slice %slice3A {offsets = [0, 2], sizes = [2048, 1], strides = [1, 1]} : vector<2048x4xf32> to vector<2048x1xf32>
    %squeeze3A_19 = vector.shape_cast %slice3A_18 : vector<2048x1xf32> to vector<2048xf32>
    %slice3A_20 = vector.extract_strided_slice %slice3A {offsets = [0, 3], sizes = [2048, 1], strides = [1, 1]} : vector<2048x4xf32> to vector<2048x1xf32>
    %squeeze3A_21 = vector.shape_cast %slice3A_20 : vector<2048x1xf32> to vector<2048xf32>
    %add3A_22 = arith.addf %squeeze3A, %squeeze3A_17 : vector<2048xf32>
    %add3A_23 = arith.addf %squeeze3A, %squeeze3A_19 : vector<2048xf32>
    %max3A = arith.maximumf %add3A_22, %add3A_23 : vector<2048xf32>
    %add3A_24 = arith.addf %squeeze3A, %squeeze3A_21 : vector<2048xf32>
    %add3A_25 = arith.addf %squeeze3A_17, %squeeze3A_19 : vector<2048xf32>
    %max3A_26 = arith.maximumf %add3A_24, %add3A_25 : vector<2048xf32>
    %max3A_27 = arith.maximumf %max3A, %max3A_26 : vector<2048xf32>
    %add3A_28 = arith.addf %squeeze3A_17, %squeeze3A_21 : vector<2048xf32>
    %add3A_29 = arith.addf %squeeze3A_19, %squeeze3A_21 : vector<2048xf32>
    %max3A_30 = arith.maximumf %add3A_28, %add3A_29 : vector<2048xf32>
    %max3A_31 = arith.maximumf %max3A_27, %max3A_30 : vector<2048xf32>
    %slice3A_32 = vector.extract_strided_slice %add3A_14 {offsets = [0, 4], sizes = [2048, 4], strides = [1, 1]} : vector<2048x8xf32> to vector<2048x4xf32>
    %slice3A_33 = vector.extract_strided_slice %slice3A_32 {offsets = [0, 0], sizes = [2048, 1], strides = [1, 1]} : vector<2048x4xf32> to vector<2048x1xf32>
    %squeeze3A_34 = vector.shape_cast %slice3A_33 : vector<2048x1xf32> to vector<2048xf32>
    %slice3A_35 = vector.extract_strided_slice %slice3A_32 {offsets = [0, 1], sizes = [2048, 1], strides = [1, 1]} : vector<2048x4xf32> to vector<2048x1xf32>
    %squeeze3A_36 = vector.shape_cast %slice3A_35 : vector<2048x1xf32> to vector<2048xf32>
    %slice3A_37 = vector.extract_strided_slice %slice3A_32 {offsets = [0, 2], sizes = [2048, 1], strides = [1, 1]} : vector<2048x4xf32> to vector<2048x1xf32>
    %squeeze3A_38 = vector.shape_cast %slice3A_37 : vector<2048x1xf32> to vector<2048xf32>
    %slice3A_39 = vector.extract_strided_slice %slice3A_32 {offsets = [0, 3], sizes = [2048, 1], strides = [1, 1]} : vector<2048x4xf32> to vector<2048x1xf32>
    %squeeze3A_40 = vector.shape_cast %slice3A_39 : vector<2048x1xf32> to vector<2048xf32>
    %add3A_41 = arith.addf %squeeze3A_34, %squeeze3A_36 : vector<2048xf32>
    %add3A_42 = arith.addf %squeeze3A_34, %squeeze3A_38 : vector<2048xf32>
    %max3A_43 = arith.maximumf %add3A_41, %add3A_42 : vector<2048xf32>
    %add3A_44 = arith.addf %squeeze3A_34, %squeeze3A_40 : vector<2048xf32>
    %add3A_45 = arith.addf %squeeze3A_36, %squeeze3A_38 : vector<2048xf32>
    %max3A_46 = arith.maximumf %add3A_44, %add3A_45 : vector<2048xf32>
    %max3A_47 = arith.maximumf %max3A_43, %max3A_46 : vector<2048xf32>
    %add3A_48 = arith.addf %squeeze3A_36, %squeeze3A_40 : vector<2048xf32>
    %add3A_49 = arith.addf %squeeze3A_38, %squeeze3A_40 : vector<2048xf32>
    %max3A_50 = arith.maximumf %add3A_48, %add3A_49 : vector<2048xf32>
    %max3A_51 = arith.maximumf %max3A_47, %max3A_50 : vector<2048xf32>
    %ge3A = arith.cmpf oge, %max3A_31, %max3A_51 : vector<2048xf32>
    %convert_element_type3A = arith.extui %ge3A : vector<2048xi1> to vector<2048xi32>
    %convert_element_type3A_52 = arith.sitofp %convert_element_type3A : vector<2048xi32> to vector<2048xf32>
    %broadcast_in_dim3A = vector.shape_cast %convert_element_type3A_52 : vector<2048xf32> to vector<2048x1xf32>
    %iota3A = tpu.iota {dimensions = array<i32: 1>} : vector<2048x8xi32>
    %lt3A = arith.constant 4 : i32
    %lt3A_53 = vector.broadcast %lt3A : i32 to vector<2048x8xi32>
    %lt3A_54 = arith.cmpi slt, %iota3A, %lt3A_53 : vector<2048x8xi32>
    %convert_element_type3A_55 = arith.extui %lt3A_54 : vector<2048x8xi1> to vector<2048x8xi32>
    %convert_element_type3A_56 = arith.sitofp %convert_element_type3A_55 : vector<2048x8xi32> to vector<2048x8xf32>
    %mul3A = vector.broadcast %broadcast_in_dim3A : vector<2048x1xf32> to vector<2048x8xf32>
    %mul3A_57 = arith.mulf %mul3A, %convert_element_type3A_56 : vector<2048x8xf32>
    %sub3A = arith.constant 1.000000e+00 : f32
    %sub3A_58 = vector.broadcast %sub3A : f32 to vector<2048x1xf32>
    %sub3A_59 = arith.subf %sub3A_58, %broadcast_in_dim3A : vector<2048x1xf32>
    %sub3A_60 = arith.constant 1.000000e+00 : f32
    %sub3A_61 = vector.broadcast %sub3A_60 : f32 to vector<2048x8xf32>
    %sub3A_62 = arith.subf %sub3A_61, %convert_element_type3A_56 : vector<2048x8xf32>
    %mul3A_63 = vector.broadcast %sub3A_59 : vector<2048x1xf32> to vector<2048x8xf32>
    %mul3A_64 = arith.mulf %mul3A_63, %sub3A_62 : vector<2048x8xf32>
    %add3A_65 = arith.addf %mul3A_57, %mul3A_64 : vector<2048x8xf32>
    %mul3A_66 = arith.mulf %add3A_14, %add3A_65 : vector<2048x8xf32>
    %sub3A_67 = arith.constant 1.000000e+00 : f32
    %sub3A_68 = vector.broadcast %sub3A_67 : f32 to vector<2048x8xf32>
    %sub3A_69 = arith.subf %sub3A_68, %add3A_65 : vector<2048x8xf32>
    %mul3A_70 = arith.constant 1.000000e+09 : f32
    %mul3A_71 = vector.broadcast %mul3A_70 : f32 to vector<2048x8xf32>
    %mul3A_72 = arith.mulf %mul3A_71, %sub3A_69 : vector<2048x8xf32>
    %sub3A_73 = arith.subf %mul3A_66, %mul3A_72 : vector<2048x8xf32>
    %reduce_max3A = arith.constant dense<0xFF800000> : vector<2048xf32>
    %reduce_max3A_74 = vector.multi_reduction <maximumf>, %sub3A_73, %reduce_max3A [1] : vector<2048x8xf32> to vector<2048xf32>
    %broadcast_in_dim3A_75 = vector.shape_cast %reduce_max3A_74 : vector<2048xf32> to vector<2048x1xf32>
    %eq3A = vector.broadcast %broadcast_in_dim3A_75 : vector<2048x1xf32> to vector<2048x8xf32>
    %eq3A_76 = arith.cmpf oeq, %sub3A_73, %eq3A : vector<2048x8xf32>
    %convert_element_type3A_77 = arith.extui %eq3A_76 : vector<2048x8xi1> to vector<2048x8xi32>
    %convert_element_type3A_78 = arith.sitofp %convert_element_type3A_77 : vector<2048x8xi32> to vector<2048x8xf32>
    %iota3A_79 = tpu.iota {dimensions = array<i32: 0>} : vector<8x8xi32>
    %iota3A_80 = tpu.iota {dimensions = array<i32: 1>} : vector<8x8xi32>
    %lt3A_81 = arith.cmpi slt, %iota3A_79, %iota3A_80 : vector<8x8xi32>
    %convert_element_type3A_82 = arith.extui %lt3A_81 : vector<8x8xi1> to vector<8x8xi32>
    %convert_element_type3A_83 = arith.sitofp %convert_element_type3A_82 : vector<8x8xi32> to vector<8x8xf32>
    %dot_general3A_84 = arith.constant dense<0.000000e+00> : vector<2048x8xf32>
    %dot_general3A_85 = tpu.matmul %convert_element_type3A_78, %convert_element_type3A_83, %dot_general3A_84 {dimension_numbers = #tpu.dot_dimension_numbers<[1], [0], [0], [1], [0, 0, 1, 1], [], []>, transpose_lhs_hint = false} : vector<2048x8xf32>, vector<8x8xf32>, vector<2048x8xf32> -> vector<2048x8xf32>
    %eq3A_86 = arith.constant 0.000000e+00 : f32
    %eq3A_87 = vector.broadcast %eq3A_86 : f32 to vector<2048x8xf32>
    %eq3A_88 = arith.cmpf oeq, %dot_general3A_85, %eq3A_87 : vector<2048x8xf32>
    %convert_element_type3A_89 = arith.extui %eq3A_88 : vector<2048x8xi1> to vector<2048x8xi32>
    %convert_element_type3A_90 = arith.sitofp %convert_element_type3A_89 : vector<2048x8xi32> to vector<2048x8xf32>
    %mul3A_91 = arith.mulf %convert_element_type3A_78, %convert_element_type3A_90 : vector<2048x8xf32>
    %mul3A_92 = arith.mulf %mul3A_91, %logistic3A_10 : vector<2048x8xf32>
    %reduce_sum3A = arith.constant dense<0.000000e+00> : vector<2048xf32>
    %reduce_sum3A_93 = vector.multi_reduction <add>, %mul3A_92, %reduce_sum3A [1] : vector<2048x8xf32> to vector<2048xf32>
    %broadcast_in_dim3A_94 = vector.shape_cast %reduce_sum3A_93 : vector<2048xf32> to vector<2048x1xf32>
    %add3A_95 = arith.constant 9.99999968E-21 : f32
    %add3A_96 = vector.broadcast %add3A_95 : f32 to vector<2048x1xf32>
    %add3A_97 = arith.addf %broadcast_in_dim3A_94, %add3A_96 : vector<2048x1xf32>
    %div3A = arith.divf %broadcast_in_dim3A_94, %add3A_97 : vector<2048x1xf32>
    %swap3A = arith.constant 0 : index
    %swap3A_98 = arith.constant 0 : index
    %swap3A_99 = vector.load %arg4[%swap3A, %swap3A_98] : memref<2048x1xf32, #tpu.memory_space<vmem>>, vector<2048x1xf32>
    tpu.vector_store %arg4[%swap3A, %swap3A_98], %div3A {strides = array<i32>} : memref<2048x1xf32, #tpu.memory_space<vmem>>, vector<2048x1xf32>,
    %reduce_sum3A_100 = arith.constant dense<0.000000e+00> : vector<8xf32>
    %reduce_sum3A_101 = vector.multi_reduction <add>, %mul3A_91, %reduce_sum3A_100 [0] : vector<2048x8xf32> to vector<8xf32>
    %broadcast_in_dim3A_102 = vector.shape_cast %reduce_sum3A_101 : vector<8xf32> to vector<1x8xf32>
    %add3A_103 = arith.constant 1.270000e+02 : f32
    %add3A_104 = vector.broadcast %add3A_103 : f32 to vector<1x8xf32>
    %add3A_105 = arith.addf %broadcast_in_dim3A_102, %add3A_104 : vector<1x8xf32>
    %mul3A_106 = arith.constant 7.812500e-03 : f32
    %mul3A_107 = vector.broadcast %mul3A_106 : f32 to vector<1x8xf32>
    %mul3A_108 = arith.mulf %add3A_105, %mul3A_107 : vector<1x8xf32>
    %floor3A = math.floor %mul3A_108 : vector<1x8xf32>
    %dot_general3A_109 = arith.constant dense<0.000000e+00> : vector<1x8xf32>
    %dot_general3A_110 = tpu.matmul %floor3A, %convert_element_type3A_83, %dot_general3A_109 {dimension_numbers = #tpu.dot_dimension_numbers<[1], [0], [0], [1], [0, 0, 1, 1], [], []>, transpose_lhs_hint = false} : vector<1x8xf32>, vector<8x8xf32>, vector<1x8xf32> -> vector<1x8xf32>
    %mul3A_111 = arith.constant 1.280000e+02 : f32
    %mul3A_112 = vector.broadcast %mul3A_111 : f32 to vector<1x8xf32>
    %mul3A_113 = arith.mulf %mul3A_112, %dot_general3A_110 : vector<1x8xf32>
    %iota3A_114 = tpu.iota {dimensions = array<i32: 0>} : vector<8x8xi32>
    %iota3A_115 = tpu.iota {dimensions = array<i32: 1>} : vector<8x8xi32>
    %le3A = arith.cmpi sle, %iota3A_114, %iota3A_115 : vector<8x8xi32>
    %convert_element_type3A_116 = arith.extui %le3A : vector<8x8xi1> to vector<8x8xi32>
    %convert_element_type3A_117 = arith.sitofp %convert_element_type3A_116 : vector<8x8xi32> to vector<8x8xf32>
    %dot_general3A_118 = arith.constant dense<0.000000e+00> : vector<1x8xf32>
    %dot_general3A_119 = tpu.matmul %floor3A, %convert_element_type3A_117, %dot_general3A_118 {dimension_numbers = #tpu.dot_dimension_numbers<[1], [0], [0], [1], [0, 0, 1, 1], [], []>, transpose_lhs_hint = false} : vector<1x8xf32>, vector<8x8xf32>, vector<1x8xf32> -> vector<1x8xf32>
    %iota3A_120 = tpu.iota {dimensions = array<i32: 0>} : vector<256x256xi32>
    %iota3A_121 = tpu.iota {dimensions = array<i32: 1>} : vector<256x256xi32>
    %gt3A = arith.cmpi sgt, %iota3A_120, %iota3A_121 : vector<256x256xi32>
    %convert_element_type3A_122 = arith.extui %gt3A : vector<256x256xi1> to vector<256x256xi32>
    %convert_element_type3A_123 = arith.sitofp %convert_element_type3A_122 : vector<256x256xi32> to vector<256x256xf32>
    %broadcast_in_dim3A_124 = arith.constant 0.000000e+00 : f32
    %broadcast_in_dim3A_125 = vector.broadcast %broadcast_in_dim3A_124 : f32 to vector<1x8xf32>
    %slice3A_126 = vector.extract_strided_slice %mul3A_91 {offsets = [0, 0], sizes = [256, 8], strides = [1, 1]} : vector<2048x8xf32> to vector<256x8xf32>
    %dot_general3A_127 = arith.constant dense<0.000000e+00> : vector<256x8xf32>
    %dot_general3A_128 = tpu.matmul %convert_element_type3A_123, %slice3A_126, %dot_general3A_127 {dimension_numbers = #tpu.dot_dimension_numbers<[1], [0], [0], [1], [0, 0, 1, 1], [], []>, transpose_lhs_hint = false} : vector<256x256xf32>, vector<256x8xf32>, vector<256x8xf32> -> vector<256x8xf32>
    %add3A_129 = vector.broadcast %broadcast_in_dim3A_125 : vector<1x8xf32> to vector<256x8xf32>
    %add3A_130 = arith.addf %dot_general3A_128, %add3A_129 : vector<256x8xf32>
    %add3A_131 = vector.broadcast %mul3A_113 : vector<1x8xf32> to vector<256x8xf32>
    %add3A_132 = arith.addf %add3A_131, %add3A_130 : vector<256x8xf32>
    %mul3A_133 = arith.mulf %slice3A_126, %add3A_132 : vector<256x8xf32>
    %reduce_sum3A_134 = arith.constant dense<0.000000e+00> : vector<256xf32>
    %reduce_sum3A_135 = vector.multi_reduction <add>, %mul3A_133, %reduce_sum3A_134 [1] : vector<256x8xf32> to vector<256xf32>
    %broadcast_in_dim3A_136 = vector.shape_cast %reduce_sum3A_135 : vector<256xf32> to vector<256x1xf32>
    %convert_element_type3A_137 = arith.fptosi %broadcast_in_dim3A_136 : vector<256x1xf32> to vector<256x1xi32>
    %swap3A_138 = arith.constant 0 : index
    %swap3A_139 = arith.constant 0 : index
    %swap3A_140 = vector.load %arg3[%swap3A_138, %swap3A_139] : memref<2048x1xi32, #tpu.memory_space<vmem>>, vector<256x1xi32>
    tpu.vector_store %arg3[%swap3A_138, %swap3A_139], %convert_element_type3A_137 {strides = array<i32>} : memref<2048x1xi32, #tpu.memory_space<vmem>>, vector<256x1xi32>,
    %reduce_sum3A_141 = arith.constant dense<0.000000e+00> : vector<8xf32>
    %reduce_sum3A_142 = vector.multi_reduction <add>, %slice3A_126, %reduce_sum3A_141 [0] : vector<256x8xf32> to vector<8xf32>
    %broadcast_in_dim3A_143 = vector.shape_cast %reduce_sum3A_142 : vector<8xf32> to vector<1x8xf32>
    %add3A_144 = arith.addf %broadcast_in_dim3A_125, %broadcast_in_dim3A_143 : vector<1x8xf32>
    %slice3A_145 = vector.extract_strided_slice %mul3A_91 {offsets = [256, 0], sizes = [256, 8], strides = [1, 1]} : vector<2048x8xf32> to vector<256x8xf32>
    %dot_general3A_146 = arith.constant dense<0.000000e+00> : vector<256x8xf32>
    %dot_general3A_147 = tpu.matmul %convert_element_type3A_123, %slice3A_145, %dot_general3A_146 {dimension_numbers = #tpu.dot_dimension_numbers<[1], [0], [0], [1], [0, 0, 1, 1], [], []>, transpose_lhs_hint = false} : vector<256x256xf32>, vector<256x8xf32>, vector<256x8xf32> -> vector<256x8xf32>
    %add3A_148 = vector.broadcast %add3A_144 : vector<1x8xf32> to vector<256x8xf32>
    %add3A_149 = arith.addf %dot_general3A_147, %add3A_148 : vector<256x8xf32>
    %add3A_150 = vector.broadcast %mul3A_113 : vector<1x8xf32> to vector<256x8xf32>
    %add3A_151 = arith.addf %add3A_150, %add3A_149 : vector<256x8xf32>
    %mul3A_152 = arith.mulf %slice3A_145, %add3A_151 : vector<256x8xf32>
    %reduce_sum3A_153 = arith.constant dense<0.000000e+00> : vector<256xf32>
    %reduce_sum3A_154 = vector.multi_reduction <add>, %mul3A_152, %reduce_sum3A_153 [1] : vector<256x8xf32> to vector<256xf32>
    %broadcast_in_dim3A_155 = vector.shape_cast %reduce_sum3A_154 : vector<256xf32> to vector<256x1xf32>
    %convert_element_type3A_156 = arith.fptosi %broadcast_in_dim3A_155 : vector<256x1xf32> to vector<256x1xi32>
    %swap3A_157 = arith.constant 256 : index
    %swap3A_158 = arith.constant 0 : index
    %swap3A_159 = vector.load %arg3[%swap3A_157, %swap3A_158] : memref<2048x1xi32, #tpu.memory_space<vmem>>, vector<256x1xi32>
    tpu.vector_store %arg3[%swap3A_157, %swap3A_158], %convert_element_type3A_156 {strides = array<i32>} : memref<2048x1xi32, #tpu.memory_space<vmem>>, vector<256x1xi32>,
    %reduce_sum3A_160 = arith.constant dense<0.000000e+00> : vector<8xf32>
    %reduce_sum3A_161 = vector.multi_reduction <add>, %slice3A_145, %reduce_sum3A_160 [0] : vector<256x8xf32> to vector<8xf32>
    %broadcast_in_dim3A_162 = vector.shape_cast %reduce_sum3A_161 : vector<8xf32> to vector<1x8xf32>
    %add3A_163 = arith.addf %add3A_144, %broadcast_in_dim3A_162 : vector<1x8xf32>
    %slice3A_164 = vector.extract_strided_slice %mul3A_91 {offsets = [512, 0], sizes = [256, 8], strides = [1, 1]} : vector<2048x8xf32> to vector<256x8xf32>
    %dot_general3A_165 = arith.constant dense<0.000000e+00> : vector<256x8xf32>
    %dot_general3A_166 = tpu.matmul %convert_element_type3A_123, %slice3A_164, %dot_general3A_165 {dimension_numbers = #tpu.dot_dimension_numbers<[1], [0], [0], [1], [0, 0, 1, 1], [], []>, transpose_lhs_hint = false} : vector<256x256xf32>, vector<256x8xf32>, vector<256x8xf32> -> vector<256x8xf32>
    %add3A_167 = vector.broadcast %add3A_163 : vector<1x8xf32> to vector<256x8xf32>
    %add3A_168 = arith.addf %dot_general3A_166, %add3A_167 : vector<256x8xf32>
    %add3A_169 = vector.broadcast %mul3A_113 : vector<1x8xf32> to vector<256x8xf32>
    %add3A_170 = arith.addf %add3A_169, %add3A_168 : vector<256x8xf32>
    %mul3A_171 = arith.mulf %slice3A_164, %add3A_170 : vector<256x8xf32>
    %reduce_sum3A_172 = arith.constant dense<0.000000e+00> : vector<256xf32>
    %reduce_sum3A_173 = vector.multi_reduction <add>, %mul3A_171, %reduce_sum3A_172 [1] : vector<256x8xf32> to vector<256xf32>
    %broadcast_in_dim3A_174 = vector.shape_cast %reduce_sum3A_173 : vector<256xf32> to vector<256x1xf32>
    %convert_element_type3A_175 = arith.fptosi %broadcast_in_dim3A_174 : vector<256x1xf32> to vector<256x1xi32>
    %swap3A_176 = arith.constant 512 : index
    %swap3A_177 = arith.constant 0 : index
    %swap3A_178 = vector.load %arg3[%swap3A_176, %swap3A_177] : memref<2048x1xi32, #tpu.memory_space<vmem>>, vector<256x1xi32>
    tpu.vector_store %arg3[%swap3A_176, %swap3A_177], %convert_element_type3A_175 {strides = array<i32>} : memref<2048x1xi32, #tpu.memory_space<vmem>>, vector<256x1xi32>,
    %reduce_sum3A_179 = arith.constant dense<0.000000e+00> : vector<8xf32>
    %reduce_sum3A_180 = vector.multi_reduction <add>, %slice3A_164, %reduce_sum3A_179 [0] : vector<256x8xf32> to vector<8xf32>
    %broadcast_in_dim3A_181 = vector.shape_cast %reduce_sum3A_180 : vector<8xf32> to vector<1x8xf32>
    %add3A_182 = arith.addf %add3A_163, %broadcast_in_dim3A_181 : vector<1x8xf32>
    %slice3A_183 = vector.extract_strided_slice %mul3A_91 {offsets = [768, 0], sizes = [256, 8], strides = [1, 1]} : vector<2048x8xf32> to vector<256x8xf32>
    %dot_general3A_184 = arith.constant dense<0.000000e+00> : vector<256x8xf32>
    %dot_general3A_185 = tpu.matmul %convert_element_type3A_123, %slice3A_183, %dot_general3A_184 {dimension_numbers = #tpu.dot_dimension_numbers<[1], [0], [0], [1], [0, 0, 1, 1], [], []>, transpose_lhs_hint = false} : vector<256x256xf32>, vector<256x8xf32>, vector<256x8xf32> -> vector<256x8xf32>
    %add3A_186 = vector.broadcast %add3A_182 : vector<1x8xf32> to vector<256x8xf32>
    %add3A_187 = arith.addf %dot_general3A_185, %add3A_186 : vector<256x8xf32>
    %add3A_188 = vector.broadcast %mul3A_113 : vector<1x8xf32> to vector<256x8xf32>
    %add3A_189 = arith.addf %add3A_188, %add3A_187 : vector<256x8xf32>
    %mul3A_190 = arith.mulf %slice3A_183, %add3A_189 : vector<256x8xf32>
    %reduce_sum3A_191 = arith.constant dense<0.000000e+00> : vector<256xf32>
    %reduce_sum3A_192 = vector.multi_reduction <add>, %mul3A_190, %reduce_sum3A_191 [1] : vector<256x8xf32> to vector<256xf32>
    %broadcast_in_dim3A_193 = vector.shape_cast %reduce_sum3A_192 : vector<256xf32> to vector<256x1xf32>
    %convert_element_type3A_194 = arith.fptosi %broadcast_in_dim3A_193 : vector<256x1xf32> to vector<256x1xi32>
    %swap3A_195 = arith.constant 768 : index
    %swap3A_196 = arith.constant 0 : index
    %swap3A_197 = vector.load %arg3[%swap3A_195, %swap3A_196] : memref<2048x1xi32, #tpu.memory_space<vmem>>, vector<256x1xi32>
    tpu.vector_store %arg3[%swap3A_195, %swap3A_196], %convert_element_type3A_194 {strides = array<i32>} : memref<2048x1xi32, #tpu.memory_space<vmem>>, vector<256x1xi32>,
    %reduce_sum3A_198 = arith.constant dense<0.000000e+00> : vector<8xf32>
    %reduce_sum3A_199 = vector.multi_reduction <add>, %slice3A_183, %reduce_sum3A_198 [0] : vector<256x8xf32> to vector<8xf32>
    %broadcast_in_dim3A_200 = vector.shape_cast %reduce_sum3A_199 : vector<8xf32> to vector<1x8xf32>
    %add3A_201 = arith.addf %add3A_182, %broadcast_in_dim3A_200 : vector<1x8xf32>
    %slice3A_202 = vector.extract_strided_slice %mul3A_91 {offsets = [1024, 0], sizes = [256, 8], strides = [1, 1]} : vector<2048x8xf32> to vector<256x8xf32>
    %dot_general3A_203 = arith.constant dense<0.000000e+00> : vector<256x8xf32>
    %dot_general3A_204 = tpu.matmul %convert_element_type3A_123, %slice3A_202, %dot_general3A_203 {dimension_numbers = #tpu.dot_dimension_numbers<[1], [0], [0], [1], [0, 0, 1, 1], [], []>, transpose_lhs_hint = false} : vector<256x256xf32>, vector<256x8xf32>, vector<256x8xf32> -> vector<256x8xf32>
    %add3A_205 = vector.broadcast %add3A_201 : vector<1x8xf32> to vector<256x8xf32>
    %add3A_206 = arith.addf %dot_general3A_204, %add3A_205 : vector<256x8xf32>
    %add3A_207 = vector.broadcast %mul3A_113 : vector<1x8xf32> to vector<256x8xf32>
    %add3A_208 = arith.addf %add3A_207, %add3A_206 : vector<256x8xf32>
    %mul3A_209 = arith.mulf %slice3A_202, %add3A_208 : vector<256x8xf32>
    %reduce_sum3A_210 = arith.constant dense<0.000000e+00> : vector<256xf32>
    %reduce_sum3A_211 = vector.multi_reduction <add>, %mul3A_209, %reduce_sum3A_210 [1] : vector<256x8xf32> to vector<256xf32>
    %broadcast_in_dim3A_212 = vector.shape_cast %reduce_sum3A_211 : vector<256xf32> to vector<256x1xf32>
    %convert_element_type3A_213 = arith.fptosi %broadcast_in_dim3A_212 : vector<256x1xf32> to vector<256x1xi32>
    %swap3A_214 = arith.constant 1024 : index
    %swap3A_215 = arith.constant 0 : index
    %swap3A_216 = vector.load %arg3[%swap3A_214, %swap3A_215] : memref<2048x1xi32, #tpu.memory_space<vmem>>, vector<256x1xi32>
    tpu.vector_store %arg3[%swap3A_214, %swap3A_215], %convert_element_type3A_213 {strides = array<i32>} : memref<2048x1xi32, #tpu.memory_space<vmem>>, vector<256x1xi32>,
    %reduce_sum3A_217 = arith.constant dense<0.000000e+00> : vector<8xf32>
    %reduce_sum3A_218 = vector.multi_reduction <add>, %slice3A_202, %reduce_sum3A_217 [0] : vector<256x8xf32> to vector<8xf32>
    %broadcast_in_dim3A_219 = vector.shape_cast %reduce_sum3A_218 : vector<8xf32> to vector<1x8xf32>
    %add3A_220 = arith.addf %add3A_201, %broadcast_in_dim3A_219 : vector<1x8xf32>
    %slice3A_221 = vector.extract_strided_slice %mul3A_91 {offsets = [1280, 0], sizes = [256, 8], strides = [1, 1]} : vector<2048x8xf32> to vector<256x8xf32>
    %dot_general3A_222 = arith.constant dense<0.000000e+00> : vector<256x8xf32>
    %dot_general3A_223 = tpu.matmul %convert_element_type3A_123, %slice3A_221, %dot_general3A_222 {dimension_numbers = #tpu.dot_dimension_numbers<[1], [0], [0], [1], [0, 0, 1, 1], [], []>, transpose_lhs_hint = false} : vector<256x256xf32>, vector<256x8xf32>, vector<256x8xf32> -> vector<256x8xf32>
    %add3A_224 = vector.broadcast %add3A_220 : vector<1x8xf32> to vector<256x8xf32>
    %add3A_225 = arith.addf %dot_general3A_223, %add3A_224 : vector<256x8xf32>
    %add3A_226 = vector.broadcast %mul3A_113 : vector<1x8xf32> to vector<256x8xf32>
    %add3A_227 = arith.addf %add3A_226, %add3A_225 : vector<256x8xf32>
    %mul3A_228 = arith.mulf %slice3A_221, %add3A_227 : vector<256x8xf32>
    %reduce_sum3A_229 = arith.constant dense<0.000000e+00> : vector<256xf32>
    %reduce_sum3A_230 = vector.multi_reduction <add>, %mul3A_228, %reduce_sum3A_229 [1] : vector<256x8xf32> to vector<256xf32>
    %broadcast_in_dim3A_231 = vector.shape_cast %reduce_sum3A_230 : vector<256xf32> to vector<256x1xf32>
    %convert_element_type3A_232 = arith.fptosi %broadcast_in_dim3A_231 : vector<256x1xf32> to vector<256x1xi32>
    %swap3A_233 = arith.constant 1280 : index
    %swap3A_234 = arith.constant 0 : index
    %swap3A_235 = vector.load %arg3[%swap3A_233, %swap3A_234] : memref<2048x1xi32, #tpu.memory_space<vmem>>, vector<256x1xi32>
    tpu.vector_store %arg3[%swap3A_233, %swap3A_234], %convert_element_type3A_232 {strides = array<i32>} : memref<2048x1xi32, #tpu.memory_space<vmem>>, vector<256x1xi32>,
    %reduce_sum3A_236 = arith.constant dense<0.000000e+00> : vector<8xf32>
    %reduce_sum3A_237 = vector.multi_reduction <add>, %slice3A_221, %reduce_sum3A_236 [0] : vector<256x8xf32> to vector<8xf32>
    %broadcast_in_dim3A_238 = vector.shape_cast %reduce_sum3A_237 : vector<8xf32> to vector<1x8xf32>
    %add3A_239 = arith.addf %add3A_220, %broadcast_in_dim3A_238 : vector<1x8xf32>
    %slice3A_240 = vector.extract_strided_slice %mul3A_91 {offsets = [1536, 0], sizes = [256, 8], strides = [1, 1]} : vector<2048x8xf32> to vector<256x8xf32>
    %dot_general3A_241 = arith.constant dense<0.000000e+00> : vector<256x8xf32>
    %dot_general3A_242 = tpu.matmul %convert_element_type3A_123, %slice3A_240, %dot_general3A_241 {dimension_numbers = #tpu.dot_dimension_numbers<[1], [0], [0], [1], [0, 0, 1, 1], [], []>, transpose_lhs_hint = false} : vector<256x256xf32>, vector<256x8xf32>, vector<256x8xf32> -> vector<256x8xf32>
    %add3A_243 = vector.broadcast %add3A_239 : vector<1x8xf32> to vector<256x8xf32>
    %add3A_244 = arith.addf %dot_general3A_242, %add3A_243 : vector<256x8xf32>
    %add3A_245 = vector.broadcast %mul3A_113 : vector<1x8xf32> to vector<256x8xf32>
    %add3A_246 = arith.addf %add3A_245, %add3A_244 : vector<256x8xf32>
    %mul3A_247 = arith.mulf %slice3A_240, %add3A_246 : vector<256x8xf32>
    %reduce_sum3A_248 = arith.constant dense<0.000000e+00> : vector<256xf32>
    %reduce_sum3A_249 = vector.multi_reduction <add>, %mul3A_247, %reduce_sum3A_248 [1] : vector<256x8xf32> to vector<256xf32>
    %broadcast_in_dim3A_250 = vector.shape_cast %reduce_sum3A_249 : vector<256xf32> to vector<256x1xf32>
    %convert_element_type3A_251 = arith.fptosi %broadcast_in_dim3A_250 : vector<256x1xf32> to vector<256x1xi32>
    %swap3A_252 = arith.constant 1536 : index
    %swap3A_253 = arith.constant 0 : index
    %swap3A_254 = vector.load %arg3[%swap3A_252, %swap3A_253] : memref<2048x1xi32, #tpu.memory_space<vmem>>, vector<256x1xi32>
    tpu.vector_store %arg3[%swap3A_252, %swap3A_253], %convert_element_type3A_251 {strides = array<i32>} : memref<2048x1xi32, #tpu.memory_space<vmem>>, vector<256x1xi32>,
    %reduce_sum3A_255 = arith.constant dense<0.000000e+00> : vector<8xf32>
    %reduce_sum3A_256 = vector.multi_reduction <add>, %slice3A_240, %reduce_sum3A_255 [0] : vector<256x8xf32> to vector<8xf32>
    %broadcast_in_dim3A_257 = vector.shape_cast %reduce_sum3A_256 : vector<8xf32> to vector<1x8xf32>
    %add3A_258 = arith.addf %add3A_239, %broadcast_in_dim3A_257 : vector<1x8xf32>
    %slice3A_259 = vector.extract_strided_slice %mul3A_91 {offsets = [1792, 0], sizes = [256, 8], strides = [1, 1]} : vector<2048x8xf32> to vector<256x8xf32>
    %dot_general3A_260 = arith.constant dense<0.000000e+00> : vector<256x8xf32>
    %dot_general3A_261 = tpu.matmul %convert_element_type3A_123, %slice3A_259, %dot_general3A_260 {dimension_numbers = #tpu.dot_dimension_numbers<[1], [0], [0], [1], [0, 0, 1, 1], [], []>, transpose_lhs_hint = false} : vector<256x256xf32>, vector<256x8xf32>, vector<256x8xf32> -> vector<256x8xf32>
    %add3A_262 = vector.broadcast %add3A_258 : vector<1x8xf32> to vector<256x8xf32>
    %add3A_263 = arith.addf %dot_general3A_261, %add3A_262 : vector<256x8xf32>
    %add3A_264 = vector.broadcast %mul3A_113 : vector<1x8xf32> to vector<256x8xf32>
    %add3A_265 = arith.addf %add3A_264, %add3A_263 : vector<256x8xf32>
    %mul3A_266 = arith.mulf %slice3A_259, %add3A_265 : vector<256x8xf32>
    %reduce_sum3A_267 = arith.constant dense<0.000000e+00> : vector<256xf32>
    %reduce_sum3A_268 = vector.multi_reduction <add>, %mul3A_266, %reduce_sum3A_267 [1] : vector<256x8xf32> to vector<256xf32>
    %broadcast_in_dim3A_269 = vector.shape_cast %reduce_sum3A_268 : vector<256xf32> to vector<256x1xf32>
    %convert_element_type3A_270 = arith.fptosi %broadcast_in_dim3A_269 : vector<256x1xf32> to vector<256x1xi32>
    %swap3A_271 = arith.constant 1792 : index
    %swap3A_272 = arith.constant 0 : index
    %swap3A_273 = vector.load %arg3[%swap3A_271, %swap3A_272] : memref<2048x1xi32, #tpu.memory_space<vmem>>, vector<256x1xi32>
    tpu.vector_store %arg3[%swap3A_271, %swap3A_272], %convert_element_type3A_270 {strides = array<i32>} : memref<2048x1xi32, #tpu.memory_space<vmem>>, vector<256x1xi32>,
    %iota3A_274 = tpu.iota {dimensions = array<i32: 0>} : vector<128x8xi32>
    %convert_element_type3A_275 = arith.sitofp %iota3A_274 : vector<128x8xi32> to vector<128x8xf32>
    %ge3A_276 = vector.broadcast %dot_general3A_119 : vector<1x8xf32> to vector<128x8xf32>
    %ge3A_277 = arith.cmpf oge, %convert_element_type3A_275, %ge3A_276 : vector<128x8xf32>
    %convert_element_type3A_278 = arith.extui %ge3A_277 : vector<128x8xi1> to vector<128x8xi32>
    %convert_element_type3A_279 = arith.sitofp %convert_element_type3A_278 : vector<128x8xi32> to vector<128x8xf32>
    %reduce_sum3A_280 = arith.constant dense<0.000000e+00> : vector<128xf32>
    %reduce_sum3A_281 = vector.multi_reduction <add>, %convert_element_type3A_279, %reduce_sum3A_280 [1] : vector<128x8xf32> to vector<128xf32>
    %broadcast_in_dim3A_282 = vector.shape_cast %reduce_sum3A_281 : vector<128xf32> to vector<128x1xf32>
    %min3A = arith.constant 7.000000e+00 : f32
    %min3A_283 = vector.broadcast %min3A : f32 to vector<128x1xf32>
    %min3A_284 = arith.minimumf %broadcast_in_dim3A_282, %min3A_283 : vector<128x1xf32>
    %convert_element_type3A_285 = arith.fptosi %min3A_284 : vector<128x1xf32> to vector<128x1xi32>
    %swap3A_286 = arith.constant 0 : index
    %swap3A_287 = arith.constant 0 : index
    %swap3A_288 = vector.load %arg5[%swap3A_286, %swap3A_287] : memref<128x1xi32, #tpu.memory_space<vmem>>, vector<128x1xi32>
    tpu.vector_store %arg5[%swap3A_286, %swap3A_287], %convert_element_type3A_285 {strides = array<i32>} : memref<128x1xi32, #tpu.memory_space<vmem>>, vector<128x1xi32>,
    return
  }
}

module attributes {stable_mosaic.version = 14 : i64} {
  func.func @_shared_body(%arg0: i32, %arg1: memref<256x768xf32, #tpu.memory_space<vmem>>, %arg2: memref<768x512xf32, #tpu.memory_space<vmem>>, %arg3: memref<256x768xf32, #tpu.memory_space<vmem>>, %arg4: memref<256x768xf32, #tpu.memory_space<vmem>>) attributes {dimension_semantics = [#tpu.dimension_semantics<arbitrary>], iteration_bounds = array<i64: 8>, scalar_prefetch = 0 : i64, scratch_operands = 0 : i64, tpu.core_type = #tpu.core_type<tc>, window_params = [{transform_indices = @transform_0, window_bounds = array<i64: 256, 768>}, {pipeline_mode = #tpu.pipeline_mode<synchronous>, transform_indices = @transform_1, window_bounds = array<i64: 768, 512>}, {pipeline_mode = #tpu.pipeline_mode<synchronous>, transform_indices = @transform_2, window_bounds = array<i64: 256, 768>}, {transform_indices = @transform_3, window_bounds = array<i64: 256, 768>}]} {
    %get3A = arith.constant 0 : index
    %get3A_0 = arith.constant 0 : index
    %get3A_1 = vector.load %arg1[%get3A, %get3A_0] : memref<256x768xf32, #tpu.memory_space<vmem>>, vector<256x768xf32>
    %get3A_2 = arith.constant 0 : index
    %get3A_3 = arith.constant 0 : index
    %get3A_4 = vector.load %arg2[%get3A_2, %get3A_3] : memref<768x512xf32, #tpu.memory_space<vmem>>, vector<768x512xf32>
    %dot_general3A = arith.constant dense<0.000000e+00> : vector<256x512xf32>
    %dot_general3A_5 = tpu.matmul %get3A_1, %get3A_4, %dot_general3A {dimension_numbers = #tpu.dot_dimension_numbers<[1], [0], [0], [1], [0, 0, 1, 1], [], []>, transpose_lhs_hint = false} : vector<256x768xf32>, vector<768x512xf32>, vector<256x512xf32> -> vector<256x512xf32>
    %slice3A = vector.extract_strided_slice %dot_general3A_5 {offsets = [0, 0], sizes = [256, 256], strides = [1, 1]} : vector<256x512xf32> to vector<256x256xf32>
    %slice3A_6 = vector.extract_strided_slice %dot_general3A_5 {offsets = [0, 256], sizes = [256, 256], strides = [1, 1]} : vector<256x512xf32> to vector<256x256xf32>
    %logistic3A = arith.negf %slice3A : vector<256x256xf32>
    %logistic3A_7 = math.exp %logistic3A : vector<256x256xf32>
    %logistic3A_8 = arith.constant 1.000000e+00 : f32
    %logistic3A_9 = vector.broadcast %logistic3A_8 : f32 to vector<256x256xf32>
    %logistic3A_10 = arith.addf %logistic3A_9, %logistic3A_7 : vector<256x256xf32>
    %logistic3A_11 = arith.divf %logistic3A_9, %logistic3A_10 : vector<256x256xf32>
    %mul3A = arith.mulf %slice3A, %logistic3A_11 : vector<256x256xf32>
    %mul3A_12 = arith.mulf %mul3A, %slice3A_6 : vector<256x256xf32>
    %get3A_13 = arith.constant 0 : index
    %get3A_14 = arith.constant 0 : index
    %get3A_15 = vector.load %arg3[%get3A_13, %get3A_14] : memref<256x768xf32, #tpu.memory_space<vmem>>, vector<256x768xf32>
    %dot_general3A_16 = arith.constant dense<0.000000e+00> : vector<256x768xf32>
    %dot_general3A_17 = tpu.matmul %mul3A_12, %get3A_15, %dot_general3A_16 {dimension_numbers = #tpu.dot_dimension_numbers<[1], [0], [0], [1], [0, 0, 1, 1], [], []>, transpose_lhs_hint = false} : vector<256x256xf32>, vector<256x768xf32>, vector<256x768xf32> -> vector<256x768xf32>
    %swap3A = arith.constant 0 : index
    %swap3A_18 = arith.constant 0 : index
    %swap3A_19 = vector.load %arg4[%swap3A, %swap3A_18] : memref<256x768xf32, #tpu.memory_space<vmem>>, vector<256x768xf32>
    tpu.vector_store %arg4[%swap3A, %swap3A_18], %dot_general3A_17 {strides = array<i32>} : memref<256x768xf32, #tpu.memory_space<vmem>>, vector<256x768xf32>,
    return
  }
  func.func @transform_0(%arg0: i32) -> (i32, i32) {
    %c0_i32 = arith.constant 0 : i32
    %c0_i32_0 = arith.constant 0 : i32
    return %arg0, %c0_i32 : i32, i32
  }
  func.func @transform_1(%arg0: i32) -> (i32, i32) {
    %c0_i32 = arith.constant 0 : i32
    %c0_i32_0 = arith.constant 0 : i32
    %c0_i32_1 = arith.constant 0 : i32
    return %c0_i32, %c0_i32_0 : i32, i32
  }
  func.func @transform_2(%arg0: i32) -> (i32, i32) {
    %c0_i32 = arith.constant 0 : i32
    %c0_i32_0 = arith.constant 0 : i32
    %c0_i32_1 = arith.constant 0 : i32
    return %c0_i32, %c0_i32_0 : i32, i32
  }
  func.func @transform_3(%arg0: i32) -> (i32, i32) {
    %c0_i32 = arith.constant 0 : i32
    %c0_i32_0 = arith.constant 0 : i32
    return %arg0, %c0_i32 : i32, i32
  }
}

module attributes {stable_mosaic.version = 14 : i64} {
  func.func @_combine_body(%arg0: i32, %arg1: memref<512x768xf32, #tpu.memory_space<vmem>>, %arg2: memref<512x768xf32, #tpu.memory_space<vmem>>, %arg3: memref<512x1xf32, #tpu.memory_space<vmem>>, %arg4: memref<512x768xf32, #tpu.memory_space<vmem>>) attributes {dimension_semantics = [#tpu.dimension_semantics<arbitrary>], iteration_bounds = array<i64: 4>, scalar_prefetch = 0 : i64, scratch_operands = 0 : i64, tpu.core_type = #tpu.core_type<tc>, window_params = [{transform_indices = @transform_0, window_bounds = array<i64: 512, 768>}, {transform_indices = @transform_1, window_bounds = array<i64: 512, 768>}, {transform_indices = @transform_2, window_bounds = array<i64: 512, 1>}, {transform_indices = @transform_3, window_bounds = array<i64: 512, 768>}]} {
    %get3A = arith.constant 0 : index
    %get3A_0 = arith.constant 0 : index
    %get3A_1 = vector.load %arg1[%get3A, %get3A_0] : memref<512x768xf32, #tpu.memory_space<vmem>>, vector<512x768xf32>
    %get3A_2 = arith.constant 0 : index
    %get3A_3 = arith.constant 0 : index
    %get3A_4 = vector.load %arg3[%get3A_2, %get3A_3] : memref<512x1xf32, #tpu.memory_space<vmem>>, vector<512x1xf32>
    %get3A_5 = arith.constant 0 : index
    %get3A_6 = arith.constant 0 : index
    %get3A_7 = vector.load %arg2[%get3A_5, %get3A_6] : memref<512x768xf32, #tpu.memory_space<vmem>>, vector<512x768xf32>
    %mul3A = vector.broadcast %get3A_4 : vector<512x1xf32> to vector<512x768xf32>
    %mul3A_8 = arith.mulf %mul3A, %get3A_7 : vector<512x768xf32>
    %add3A = arith.addf %get3A_1, %mul3A_8 : vector<512x768xf32>
    %swap3A = arith.constant 0 : index
    %swap3A_9 = arith.constant 0 : index
    %swap3A_10 = vector.load %arg4[%swap3A, %swap3A_9] : memref<512x768xf32, #tpu.memory_space<vmem>>, vector<512x768xf32>
    tpu.vector_store %arg4[%swap3A, %swap3A_9], %add3A {strides = array<i32>} : memref<512x768xf32, #tpu.memory_space<vmem>>, vector<512x768xf32>,
    return
  }
  func.func @transform_0(%arg0: i32) -> (i32, i32) {
    %c0_i32 = arith.constant 0 : i32
    %c0_i32_0 = arith.constant 0 : i32
    return %arg0, %c0_i32 : i32, i32
  }
  func.func @transform_1(%arg0: i32) -> (i32, i32) {
    %c0_i32 = arith.constant 0 : i32
    %c0_i32_0 = arith.constant 0 : i32
    return %arg0, %c0_i32 : i32, i32
  }
  func.func @transform_2(%arg0: i32) -> (i32, i32) {
    %c0_i32 = arith.constant 0 : i32
    %c0_i32_0 = arith.constant 0 : i32
    return %arg0, %c0_i32 : i32, i32
  }
  func.func @transform_3(%arg0: i32) -> (i32, i32) {
    %c0_i32 = arith.constant 0 : i32
    %c0_i32_0 = arith.constant 0 : i32
    return %arg0, %c0_i32 : i32, i32
  }
}

</mosaic_0001>

<sc_bundles>
// kernel: kernel.11.cloned.1.call-start
scs
__scs_entry_jumppad:
0x0: {  	(pc) =	sbr.rel $0x88, $3  }
0x1: {  	(tag) =	ssettag $0x0;
	lr =	simm.s32 $0x1  }
0x2: {  	[smem:$0x3F9A] =	sst lr;
	_ =	strace $0xD0000000  }
0x3: {  	_ = 	snop  }
0x4: {  	_ = 	snop  }
0x5: {  	_ = 	snop  }
0x6: {  	_ = 	snop  }
0x7: {  	_ = 	snop  }
__scs_overlays_trampoline_lowered:
0x8: {  	[smem:$0x3FA9] =	sst s0  }
0x9: {  	[smem:$0x3FAA] =	sst s1  }
0xa: {  	[smem:$0x3FAB] =	sst s2  }
0xb: {  	[smem:$0x3FAC] =	sst s3  }
0xc: {  	[smem:$0x3FAD] =	sst s4  }
0xd: {  	[smem:$0x3FAE] =	sst s5  }
0xe: {  	[smem:$0x3FAF] =	sst s6  }
0xf: {  	[smem:$0x3FB0] =	sst s7  }
0x10: {  	[smem:$0x3FB1] =	sst s8  }
0x11: {  	[smem:$0x3FB2] =	sst s9;
	s0 =	simm.s32 @!p0 $0x0  }
0x12: {  	s1 =	sld [smem:$0x3F98];
	s0 =	simm.s32 @p0 $0x1  }
0x13: {  	[smem:$0x3FB3] =	sst s0;
	s0 =	simm.s32 @!p1 $0x0  }
0x14: {  	s2 =	sld [smem:$0x3F97];
	s0 =	simm.s32 @p1 $0x1  }
0x15: {  	[smem:$0x3FB4] =	sst s0;
	s0 =	simm.s32 @!p2 $0x0  }
0x16: {  	s3 =	sld [smem:$0x3FDB];
	s0 =	simm.s32 @p2 $0x1  }
0x17: {  	s4 =	simm.s32 $0x1BF5;
	[smem:$0x3FB6] =	sst s0  }
0x18: {  	s0 =	sld [smem:$0x3F99];
	_ =	swait.ge [sflag:s4], $0x0  }
0x19: {  	s7 =	sld [smem:$0x3F9A]  }
0x1a: {  	s8 =	sadd.s32 $0xFFFFE003, lr  }
0x1b: {  	s9 =	sadd.s32 $0xFFFFFEF7, lr;
	s5 =	simm.s32 $0xFFFFFFFF;
	p2 =	slt.u32 s8, $0xFFFFF086  }
0x1c: {  	p1 =	slt.u32 s9, $0xF7A;
	s5 =	simm.s32 @!p2 $0x0  }
0x1d: {  	s5 =	simm.s32 @p1 $0x1;
	p0 =	seq.s32 s7, s2  }
0x1e: {  	s7 =	smul.u32 @!p0 $0xF7A, s2;
	p2 =	seq.s32 @!p0 s5, $0x0  }
0x1f: {  	s9 =	smul.u32 $0xF7A, s1;
	s8 =	simm.s32 @!p0 $0x1BF5;
	p2 =	por !p2, p0  }
0x20: {  	[sflag:s8] =	ssyncset.s32 @!p0 $0xFFFFF086;
	s6 =	sadd.s32 @!p0 s3, s7;
	s7 =	simm.s32 @!p0 $0x108  }
0x21: {  	s3 =	sadd.s32 s3, s9;
	s6 =	sadd.s32 @!p0 $0x88, s6;
	s7 =	simm.s32 @p2 $0x1082  }
0x22: {  	[simem:s7], [sflag:s8] =	dma.local @!p0 [hbm:s6], $0xF7A  }
0x23: {  	s9 =	sor.u32 $0xD0000000, s2;
	s6 =	simm.s32 $0x108;
	_ =	swait.ge @!p0 [sflag:s8], $0x0  }
0x24: {  	s3 =	sadd.s32 $0x88, s3;
	s6 =	simm.s32 @!p1 $0x1082;
	[sflag:s4] =	ssyncset.s32 $0xFFFFF086  }
0x25: {  	[simem:s6], [sflag:s4] =	dma.local [hbm:s3], $0xF7A  }
0x26: {  	[smem:$0x3F9A] =	sst s1;
	(tag) =	ssettag s2;
	_ =	strace s9  }
0x27: {  	s1 =	sld [smem:$0x3FAA]  }
0x28: {  	s2 =	sld [smem:$0x3FAB]  }
0x29: {  	s4 =	sld [smem:$0x3FAD]  }
0x2a: {  	p0 =	seq.s32 s5, $0x0;
	s5 =	sld [smem:$0x3FAE]  }
0x2b: {  	s6 =	sld [smem:$0x3FAF]  }
0x2c: {  	s7 =	sld [smem:$0x3FB0]  }
0x2d: {  	s3 =	simm.s32 $0x108;
	s8 =	sld [smem:$0x3FB1]  }
0x2e: {  	s3 =	simm.s32 @!p0 $0x1082;
	s9 =	sld [smem:$0x3FB2]  }
0x2f: {  	lr =	sadd.s32 s0, s3;
	s0 =	sld [smem:$0x3FA9]  }
0x30: {  	s3 =	sld [smem:$0x3FAC]  }
0x31: {  	[smem:$0x3FB5] =	sst s10  }
0x32: {  	s10 =	sld [smem:$0x3FB3];
	_ =	sdelay $0x3  }
0x33: {  	p0 =	seq.s32 s10, $0x1;
	s10 =	sld [smem:$0x3FB5];
	_ =	sdelay $0x3  }
0x34: {  	[smem:$0x3FB5] =	sst s10  }
0x35: {  	s10 =	sld [smem:$0x3FB4];
	_ =	sdelay $0x3  }
0x36: {  	p1 =	seq.s32 s10, $0x1;
	s10 =	sld [smem:$0x3FB5];
	_ =	sdelay $0x3  }
0x37: {  	[smem:$0x3FB5] =	sst s10  }
0x38: {  	s10 =	sld [smem:$0x3FB6]  }
0x39: {  	_ = 	snop;
	(pc) =	sbr.ind lr, $3  }
0x3a: {  	_ = 	snop  }
0x3b: {  	_ = 	snop  }
0x3c: {  	p2 =	seq.s32 s10, $0x1;
	s10 =	sld [smem:$0x3FB5]  }
0x3d: {  	_ =	shalt  }
0x3e: {  	_ =	shalt  }
0x3f: {  	_ =	shalt  }
0x40: {  	_ =	shalt  }
0x41: {  	_ =	shalt  }
0x42: {  	_ =	shalt  }
0x43: {  	_ =	shalt  }
0x44: {  	_ =	shalt  }
0x45: {  	_ =	shalt  }
0x46: {  	_ =	shalt  }
0x47: {  	_ =	shalt  }
0x48: {  	_ =	shalt  }
0x49: {  	_ =	shalt  }
0x4a: {  	_ =	shalt  }
0x4b: {  	_ =	shalt  }
0x4c: {  	_ =	shalt  }
0x4d: {  	_ =	shalt  }
0x4e: {  	_ =	shalt  }
0x4f: {  	_ =	shalt  }
0x50: {  	_ =	shalt  }
0x51: {  	_ =	shalt  }
0x52: {  	_ =	shalt  }
0x53: {  	_ =	shalt  }
0x54: {  	_ =	shalt  }
0x55: {  	_ =	shalt  }
0x56: {  	_ =	shalt  }
0x57: {  	_ =	shalt  }
0x58: {  	_ =	shalt  }
0x59: {  	_ =	shalt  }
0x5a: {  	_ =	shalt  }
0x5b: {  	_ =	shalt  }
0x5c: {  	_ =	shalt  }
0x5d: {  	_ =	shalt  }
0x5e: {  	_ =	shalt  }
0x5f: {  	_ =	shalt  }
0x60: {  	_ =	shalt  }
0x61: {  	_ =	shalt  }
0x62: {  	_ =	shalt  }
0x63: {  	_ =	shalt  }
0x64: {  	_ =	shalt  }
0x65: {  	_ =	shalt  }
0x66: {  	_ =	shalt  }
0x67: {  	_ =	shalt  }
0x68: {  	_ =	shalt  }
0x69: {  	_ =	shalt  }
0x6a: {  	_ =	shalt  }
0x6b: {  	_ =	shalt  }
0x6c: {  	_ =	shalt  }
0x6d: {  	_ =	shalt  }
0x6e: {  	_ =	shalt  }
0x6f: {  	_ =	shalt  }
0x70: {  	_ =	shalt  }
0x71: {  	_ =	shalt  }
0x72: {  	_ =	shalt  }
0x73: {  	_ =	shalt  }
0x74: {  	_ =	shalt  }
0x75: {  	_ =	shalt  }
0x76: {  	_ =	shalt  }
0x77: {  	_ =	shalt  }
0x78: {  	_ =	shalt  }
0x79: {  	_ =	shalt  }
0x7a: {  	_ =	shalt  }
0x7b: {  	_ =	shalt  }
0x7c: {  	_ =	shalt  }
0x7d: {  	_ =	shalt  }
0x7e: {  	_ =	shalt  }
0x7f: {  	_ =	shalt  }
0x80: {  	_ =	shalt  }
0x81: {  	_ =	shalt  }
0x82: {  	_ =	shalt  }
0x83: {  	_ =	shalt  }
0x84: {  	_ =	shalt  }
0x85: {  	_ =	shalt  }
0x86: {  	_ =	shalt  }
0x87: {  	_ =	shalt  }
.Lfunc_end0:
.L_simem_size_0:
called_computation.1_lowered:
.L_overlay_start_0:
0x88: {  	s2 =	sld [smem:$0x3FD9]  }
0x89: {  	s3 =	sld [smem:$0x3FFE];
	_ =	sdelay $0x1  }
0x8a: {  	s1 =	srdreg.scid  }
0x8b: {  	s0 =	sand.u32 $0x1, s1  }
0x8c: {  	s17 =	sshll.u32 s0, $0xA;
	s2 =	sadd.s32 s3, s2  }
0x8d: {  	s2 =	sadd.s32 s2, s17  }
0x8e: {  	[smem:$0x3FC1] =	sst s2  }
0x8f: {  	_ = 	snop  }
0x90: {  	s2 =	sld [smem:$0x3FD0];
	(tm) =	ssettm $0x1  }
0x91: {  	s18 =	sld [smem:$0x3FFB];
	_ =	sdelay $0x3  }
0x92: {  	_ =	strace s18  }
0x93: {  	s3 =	sld [smem:$0x3FFC];
	_ =	sdelay $0x3  }
0x94: {  	_ =	strace s3  }
0x95: {  	s3 =	sld [smem:$0x3FFD];
	_ =	sdelay $0x3  }
0x96: {  	_ =	strace s3  }
0x97: {  	_ =	strace $0x8FFFFFFF  }
0x98: {  	s19 =	sld [smem:$0x3FDB];
	_ =	sdelay $0x1  }
0x99: {  	s4 =	simm.s32 $_scs_section_size  }
0x9a: {  	s5 =	simm.s32 $_size__tile_overlayer_lowered;
	s6 =	simm.s32 $_tile_overlayer_lowered  }
0x9b: {  	s22 =	simm.s32 $0x1BFF;
	s21 =	sshll.u32 s6, $0x1;
	s3 =	sadd.s32 s4, s19  }
0x9c: {  	s7 =	simm.s32 $0x0;
	s20 =	sshll.u32 s5, $0x1;
	s5 =	sadd.s32 s21, s3  }
0x9d: {  	[timem:s7], [sflag:s22] =	dma.local [hbm:s5], s20  }
0x9e: {  	_ =	swait.ge [sflag:s22], s20  }
0x9f: {  	s4 =	ssub.s32 $0x0, s20;
	[sflag:s22] =	ssyncset.done $0x0  }
0xa0: {  	[sflag:s22] =	ssyncadd.s32 s4;
	_ =	sdelay $0x1  }
0xa1: {  	s23 =	simm.s32 $0x1B8B  }
0xa2: {  	_ =	swait.ge [sflag:s23], $0x1  }
0xa3: {  	[sflag:s23] =	ssyncset.done $0x0  }
0xa4: {  	s25 =	simm.s32 $0x1B8E;
	s24 =	sld [smem:$0x3FFE];
	[sflag:s23] =	ssyncadd.s32 $0xFFFFFFFF  }
0xa5: {  	s26 =	simm.s32 $execute0_lowered;
	[smem:$0x3FD2] =	sst s25  }
0xa6: {  	s5 =	sshll.u32 s26, $0x1;
	_ =	strace $0x80000049;
	[dreg:$0x1] =	wrdreg $0xFFFFFFFF  }
0xa7: {  	s28 =	simm.s32 $_size_execute0_lowered;
	s3 =	sadd.s32 s3, s5;
	[dreg:$0x0] =	wrdreg $0x0  }
0xa8: {  	s5 =	sshll.u32 s28, $0x1;
	[dreg:$0x2] =	wrdreg s3  }
0xa9: {  	[dreg:$0x3] =	wrdreg s5  }
0xaa: {  	[dreg:$0x4] =	wrdreg $0xC0  }
0xab: {  	_ =	task [dreg:s7], $0x5FFFF  }
0xac: {  	[dreg:$0x1] =	wrdreg $0xFFFFFFFF  }
0xad: {  	[dreg:$0x0] =	wrdreg $0x60  }
0xae: {  	[dreg:$0x2] =	wrdreg s24  }
0xaf: {  	[dreg:$0x3] =	wrdreg s2  }
0xb0: {  	[dreg:$0x4] =	wrdreg $0x9  }
0xb1: {  	_ =	task.clear_ibuf [dreg:s7], $0x5FFFF;
	_ =	strace $0x90000049  }
0xb2: {  	s29 =	simm.s32 $0x9;
	_ =	strace $0x8000004B  }
0xb3: {  	_ =	swait.ge [sflag:s29], $0x1  }
0xb4: {  	[sflag:s29] =	ssyncadd.s32 $0xFFFFFFFF  }
0xb5: {  	_ =	strace $0x9000004B  }
0xb6: {  	_ =	sfence  }
0xb7: {  	s30 =	sld [smem:$0x0];
	_ =	sdelay $0x2  }
0xb8: {  	s31 =	sshll.u32 s1, $0xD;
	s1 =	sshrl.u32 s1, $0x2  }
0xb9: {  	s3 =	sand.u32 $0x4000, s31;
	s1 =	sadd.s32 s1, s30  }
0xba: {  	s0 =	sor.u32 s3, s0;
	s1 =	sshll.u32 s1, $0x11  }
0xbb: {  	s0 =	sor.u32 s1, s0  }
0xbc: {  	s0 =	sadd.s32 $0x8F2B, s0  }
0xbd: {  	[sflag:s0] =	ssyncadd.remote.s32 $0x1  }
0xbe: {  	_ =	sfence.sel $0xFFFF  }
0xbf: {  	[dreg:$0x0] =	wrdreg $0xFFFFFFFF;
	(pc) =	sbr.abs _section_cstart, $3  }
0xc0: {  	[dreg:$0x1] =	wrdreg $0xFFFFFFFF  }
0xc1: {  	_ =	task.clear_ibuf [dreg:s7], $0x2FFFF;
	_ =	strace $0x9FFFFFFF  }
0xc2: {  	(tm) =	ssettm $0x7FFFFFFF  }
0xc3: {  	_ =	shalt  }
tec
execute0_lowered:
.L_overlay_start_1:
0x0: {  	(tag) =	ssettag $0x1  }
0x1: {  	s0 =	rddreg [dreg:$0x0]  }
0x2: {  	s5 =	rddreg [dreg:$0x1];
	s3 =	srdreg.scid  }
0x3: {  	s2 =	simm.s32 $0x0;
	s1 =	stileid.u32;
	s26 =	simm.s32 $0x880  }
0x4: {  	s10 =	simm.s32 $0x1880;
	s11 =	simm.s32 $0x2080;
	s12 =	simm.s32 $0x2880  }
0x5: {  	s13 =	simm.s32 $0x3080;
	s14 =	simm.s32 $0x3880;
	s15 =	simm.s32 $0x4080  }
0x6: {  	s16 =	simm.s32 $0x4880;
	s17 =	simm.s32 $0x5080;
	s18 =	simm.s32 $0x5880  }
0x7: {  	s19 =	simm.s32 $0x6080;
	s20 =	simm.s32 $0x6880;
	s21 =	simm.s32 $0x7080  }
0x8: {  	s22 =	simm.s32 $0x7880;
	s28 =	simm.s32 $0xA080;
	s29 =	simm.s32 $0xA880  }
0x9: {  	s30 =	simm.s32 $0xB080;
	s31 =	simm.s32 $0xB880;
	s3 =	sand.u32 $0x1, s3  }
0xa: {  	[smem:$0x7FF] =	sst s2;
	s4 =	sshll.u32 s1, $0x4;
	s6 =	sshll.u32 s3, $0x3  }
0xb: {  	_ =	strace $0x8000004A;
	s23 =	ssub.s32 $0x2, s3;
	s3 =	sadd.s32 $0x2000, s0  }
0xc: {  	[dreg:$0x5] =	wrdreg s26;
	s26 =	simm.s32 $0x9880;
	s4 =	sor.u32 s6, s4  }
0xd: {  	s8 =	sshrl.u32 s23, $0x1;
	s7 =	sadd.s32 s4, s0;
	s9 =	smul.u32 $0x300, s4  }
0xe: {  	s6 =	ssub.s32 s23, s8;
	s4 =	sadd.s32 $0x2100, s0;
	s8 =	simm.s32 $0x80  }
0xf: {  	s23 =	simm.s32 $0x8080;
	s24 =	sadd.s32 $0x1E00, s7;
	s6 =	smax.u32 s6, $0x1  }
0x10: {  	v2 =	vlaneseq.u32;
	s7 =	simm.s32 $0x2;
	[dreg:$0x3] =	wrdreg s24;
	s25 =	sadd.s32 s5, s9  }
0x11: {  	vm0 =	vmmov $0xffff;
	v1 =	vshrl.u32 v2, $0x3;
	s5 =	sadd.s32 $0x2200, s0;
	s9 =	simm.s32 $0x1080;
	s24 =	simm.s32 $0x8880  }
0x12: {  	v0 =	vand.u32 $0x7, v2;
	v2 =	vor.u32 $0x8, v2;
	v1 =	vmul.u32 $0x8, v1;
	s0 =	simm.s32 $0x1;
	[dreg:$0x4] =	wrdreg s25;
	s25 =	simm.s32 $0x9080  }
.LBB2_1:
0x13: {  	s1 =	rddreg [dreg:$0x3]  }
0x14: {  	[tilespmem:s2], [sflag:$0x2] =	stream.linear.gather [hbm4b:s1+s2], $0x40, $0x38;
	[tilespmem:$0xC080] =	vst v63  }
0x15: {  	_ =	swait.ge [sflag:s7], $0x40  }
0x16: {  	[sflag:s7] =	ssyncset.done $0x0  }
0x17: {  	[sflag:s7] =	ssyncadd.s32 $0xFFFFFFC0  }
0x18: {  	v3 =	vld [tilespmem:$0x0];
	_ =	sdelay $0x4  }
0x19: {  	v4 =	vshrl.u32 v3, $0x3  }
0x1a: {  	v4 =	vmul.u32 $0x30, v4  }
0x1b: {  	v3 =	vand.u32 $0x7, v3  }
0x1c: {  	v3 =	vor.u32 v3, v4  }
0x1d: {  	v4 =	vperm.xlane v3, v0;
	_ =	sdelay $0x1  }
0x1e: {  	v4 =	vadd.s32 v1, v4;
	_ =	sdelay $0x3  }
0x1f: {  	v3 =	vperm.xlane v3, v2  }
0x20: {  	[tilespmem:s8], [sflag:$0x1] =	stream.indirect_vreg.gather [hbm4b:s3+s2], $0x80, v4, vm0, $0xb8;
	[tilespmem:$0xC080] =	vst v63  }
0x21: {  	s1 =	rddreg [dreg:$0x5];
	v3 =	vadd.s32 v1, v3  }
0x22: {  	[tilespmem:s1], [sflag:$0x1] =	stream.indirect_vreg.gather [hbm4b:s4+s2], $0x80, v4, vm0, $0xb8;
	[tilespmem:$0xC080] =	vst v63  }
0x23: {  	_ = 	snop  }
0x24: {  	[tilespmem:s9], [sflag:$0x1] =	stream.indirect_vreg.gather [hbm4b:s5+s2], $0x80, v4, vm0, $0xb8;
	[tilespmem:$0xC080] =	vst v63  }
0x25: {  	_ = 	snop  }
0x26: {  	[tilespmem:s10], [sflag:$0x1] =	stream.indirect_vreg.gather [hbm4b:s3+s2], $0x80, v3, vm0, $0xb8;
	[tilespmem:$0xC080] =	vst v63  }
0x27: {  	_ = 	snop  }
0x28: {  	[tilespmem:s11], [sflag:$0x1] =	stream.indirect_vreg.gather [hbm4b:s4+s2], $0x80, v3, vm0, $0xb8;
	[tilespmem:$0xC080] =	vst v63  }
0x29: {  	_ = 	snop  }
0x2a: {  	[tilespmem:s12], [sflag:$0x1] =	stream.indirect_vreg.gather [hbm4b:s5+s2], $0x80, v3, vm0, $0xb8;
	[tilespmem:$0xC080] =	vst v63  }
0x2b: {  	v3 =	vld [tilespmem:$0x10];
	_ =	sdelay $0x4  }
0x2c: {  	v61 =	vshrl.u32 v3, $0x3  }
0x2d: {  	v4 =	vmul.u32 $0x30, v61  }
0x2e: {  	v3 =	vand.u32 $0x7, v3  }
0x2f: {  	v3 =	vor.u32 v3, v4  }
0x30: {  	v4 =	vperm.xlane v3, v0;
	_ =	sdelay $0x1  }
0x31: {  	v4 =	vadd.s32 v1, v4;
	_ =	sdelay $0x3  }
0x32: {  	v3 =	vperm.xlane v3, v2  }
0x33: {  	[tilespmem:s13], [sflag:$0x1] =	stream.indirect_vreg.gather [hbm4b:s3+s2], $0x80, v4, vm0, $0xb8;
	[tilespmem:$0xC080] =	vst v63  }
0x34: {  	v3 =	vadd.s32 v1, v3  }
0x35: {  	[tilespmem:s14], [sflag:$0x1] =	stream.indirect_vreg.gather [hbm4b:s4+s2], $0x80, v4, vm0, $0xb8;
	[tilespmem:$0xC080] =	vst v63  }
0x36: {  	_ = 	snop  }
0x37: {  	[tilespmem:s15], [sflag:$0x1] =	stream.indirect_vreg.gather [hbm4b:s5+s2], $0x80, v4, vm0, $0xb8;
	[tilespmem:$0xC080] =	vst v63  }
0x38: {  	_ = 	snop  }
0x39: {  	[tilespmem:s16], [sflag:$0x1] =	stream.indirect_vreg.gather [hbm4b:s3+s2], $0x80, v3, vm0, $0xb8;
	[tilespmem:$0xC080] =	vst v63  }
0x3a: {  	_ = 	snop  }
0x3b: {  	[tilespmem:s17], [sflag:$0x1] =	stream.indirect_vreg.gather [hbm4b:s4+s2], $0x80, v3, vm0, $0xb8;
	[tilespmem:$0xC080] =	vst v63  }
0x3c: {  	_ = 	snop  }
0x3d: {  	[tilespmem:s18], [sflag:$0x1] =	stream.indirect_vreg.gather [hbm4b:s5+s2], $0x80, v3, vm0, $0xb8;
	[tilespmem:$0xC080] =	vst v63  }
0x3e: {  	v3 =	vld [tilespmem:$0x20];
	_ =	sdelay $0x4  }
0x3f: {  	v62 =	vshrl.u32 v3, $0x3  }
0x40: {  	v4 =	vmul.u32 $0x30, v62  }
0x41: {  	v3 =	vand.u32 $0x7, v3  }
0x42: {  	v3 =	vor.u32 v3, v4  }
0x43: {  	v4 =	vperm.xlane v3, v0;
	_ =	sdelay $0x1  }
0x44: {  	v4 =	vadd.s32 v1, v4;
	_ =	sdelay $0x3  }
0x45: {  	v3 =	vperm.xlane v3, v2  }
0x46: {  	[tilespmem:s19], [sflag:$0x1] =	stream.indirect_vreg.gather [hbm4b:s3+s2], $0x80, v4, vm0, $0xb8;
	[tilespmem:$0xC080] =	vst v63  }
0x47: {  	v3 =	vadd.s32 v1, v3  }
0x48: {  	[tilespmem:s20], [sflag:$0x1] =	stream.indirect_vreg.gather [hbm4b:s4+s2], $0x80, v4, vm0, $0xb8;
	[tilespmem:$0xC080] =	vst v63  }
0x49: {  	_ = 	snop  }
0x4a: {  	[tilespmem:s21], [sflag:$0x1] =	stream.indirect_vreg.gather [hbm4b:s5+s2], $0x80, v4, vm0, $0xb8;
	[tilespmem:$0xC080] =	vst v63  }
0x4b: {  	_ = 	snop  }
0x4c: {  	[tilespmem:s22], [sflag:$0x1] =	stream.indirect_vreg.gather [hbm4b:s3+s2], $0x80, v3, vm0, $0xb8;
	[tilespmem:$0xC080] =	vst v63  }
0x4d: {  	_ = 	snop  }
0x4e: {  	[tilespmem:s23], [sflag:$0x1] =	stream.indirect_vreg.gather [hbm4b:s4+s2], $0x80, v3, vm0, $0xb8;
	[tilespmem:$0xC080] =	vst v63  }
0x4f: {  	_ = 	snop  }
0x50: {  	[tilespmem:s24], [sflag:$0x1] =	stream.indirect_vreg.gather [hbm4b:s5+s2], $0x80, v3, vm0, $0xb8;
	[tilespmem:$0xC080] =	vst v63  }
0x51: {  	v3 =	vld [tilespmem:$0x30];
	_ =	sdelay $0x4  }
0x52: {  	v63 =	vshrl.u32 v3, $0x3  }
0x53: {  	v4 =	vmul.u32 $0x30, v63  }
0x54: {  	v3 =	vand.u32 $0x7, v3  }
0x55: {  	v3 =	vor.u32 v3, v4  }
0x56: {  	v4 =	vperm.xlane v3, v0;
	_ =	sdelay $0x1  }
0x57: {  	v4 =	vadd.s32 v1, v4;
	_ =	sdelay $0x3  }
0x58: {  	v3 =	vperm.xlane v3, v2  }
0x59: {  	[tilespmem:s25], [sflag:$0x1] =	stream.indirect_vreg.gather [hbm4b:s3+s2], $0x80, v4, vm0, $0xb8;
	[tilespmem:$0xC080] =	vst v63  }
0x5a: {  	v3 =	vadd.s32 v1, v3  }
0x5b: {  	[tilespmem:s26], [sflag:$0x1] =	stream.indirect_vreg.gather [hbm4b:s4+s2], $0x80, v4, vm0, $0xb8;
	[tilespmem:$0xC080] =	vst v63  }
0x5c: {  	_ = 	snop  }
0x5d: {  	[tilespmem:s28], [sflag:$0x1] =	stream.indirect_vreg.gather [hbm4b:s5+s2], $0x80, v4, vm0, $0xb8;
	[tilespmem:$0xC080] =	vst v63  }
0x5e: {  	_ = 	snop  }
0x5f: {  	[tilespmem:s29], [sflag:$0x1] =	stream.indirect_vreg.gather [hbm4b:s3+s2], $0x80, v3, vm0, $0xb8;
	[tilespmem:$0xC080] =	vst v63  }
0x60: {  	_ = 	snop  }
0x61: {  	[tilespmem:s30], [sflag:$0x1] =	stream.indirect_vreg.gather [hbm4b:s4+s2], $0x80, v3, vm0, $0xb8;
	[tilespmem:$0xC080] =	vst v63  }
0x62: {  	_ = 	snop  }
0x63: {  	[tilespmem:s31], [sflag:$0x1] =	stream.indirect_vreg.gather [hbm4b:s5+s2], $0x80, v3, vm0, $0xb8;
	[tilespmem:$0xC080] =	vst v63  }
0x64: {  	_ =	swait.ge [sflag:s0], $0xC000  }
0x65: {  	p0 =	sne.s32 s6, $0x1;
	[sflag:s0] =	ssyncset.done $0x0  }
.Ltmp0:
0x66: {  	s1 =	rddreg [dreg:$0x4];
	[sflag:s0] =	ssyncadd.s32 $0xFFFF4000;
	(pc) =	sbr.rel @p0 .LBB2_1-.Ltmp0, $4  }
0x67: {  	[hbm4b:s1+s2] =	stream.linear.scatter [tilespmem:s8], [sflag:$0x2], $0xC000, $0x38;
	[tilespmem:$0xC080] =	vst v63  }
0x68: {  	_ =	swait.ge [sflag:s7], $0xC000  }
0x69: {  	[sflag:s7] =	ssyncset.done $0x0  }
0x6a: {  	s6 =	sadd.s32 $0xFFFFFFFF, s6;
	[sflag:s7] =	ssyncadd.s32 $0xFFFF4000  }
0x6b: {  	_ =	sfence.sel $0x180000  }
0x6c: {  	[bflag:$0x0] =	sbarrier.arrive $0xFFFF  }
0x6d: {  	_ =	strace $0x9000004A  }
0x6e: {  	s0 =	stileid.u32;
	[bflag:$0x2] =	sbarrier.arrive $0xFFFF  }
0x6f: {  	p0 =	sne.s32 s0, $0x0;
	s0 =	rddreg [dreg:$0x2]  }
0x70: {  	s0 =	sadd.s32 @!p0 $0x100000, s0  }
0x71: {  	[sflag:s0] =	ssyncadd.tile.s32 @!p0 $0x1;
	_ =	shalt  }
.Lfunc_end2:
_tile_overlayer_lowered:
.L_overlay_start_2:
0x72: {  	(tag) =	ssettag $0x2  }
0x73: {  	s0 =	rddreg [dreg:$0x0];
	s2 =	stileid.u32  }
0x74: {  	s1 =	rddreg [dreg:$0x1];
	p0 =	sne.s32 s2, $0x0  }
0x75: {  	s3 =	rddreg [dreg:$0x2];
	[bflag:$0x3] =	sbarrier.arrive $0xFFFF;
	s2 =	simm.s32 @!p0 $0x1C02  }
0x76: {  	[timem:s3], [sflag:s2] =	dma.local @!p0 [hbm:s0], s1  }
0x77: {  	s0 =	simm.s32 @!p0 $0x2  }
0x78: {  	_ =	swait.ge @!p0 [sflag:s0], s1  }
0x79: {  	s1 =	ssub.s32 @!p0 $0x0, s1;
	[sflag:s0] =	ssyncset.done @!p0 $0x0  }
0x7a: {  	[sflag:s0] =	ssyncadd.s32 @!p0 s1  }
0x7b: {  	[bflag:$0x3] =	sbarrier.arrive $0xFFFF  }
0x7c: {  	_ =	shalt  }

// kernel: kernel.8.cloned.1.call-start
scs
__scs_entry_jumppad:
0x0: {  	(pc) =	sbr.rel $0x88, $3  }
0x1: {  	(tag) =	ssettag $0x0;
	lr =	simm.s32 $0x1  }
0x2: {  	[smem:$0x3F9A] =	sst lr;
	_ =	strace $0xD0000000  }
0x3: {  	_ = 	snop  }
0x4: {  	_ = 	snop  }
0x5: {  	_ = 	snop  }
0x6: {  	_ = 	snop  }
0x7: {  	_ = 	snop  }
__scs_overlays_trampoline_lowered:
0x8: {  	[smem:$0x3FA9] =	sst s0  }
0x9: {  	[smem:$0x3FAA] =	sst s1  }
0xa: {  	[smem:$0x3FAB] =	sst s2  }
0xb: {  	[smem:$0x3FAC] =	sst s3  }
0xc: {  	[smem:$0x3FAD] =	sst s4  }
0xd: {  	[smem:$0x3FAE] =	sst s5  }
0xe: {  	[smem:$0x3FAF] =	sst s6  }
0xf: {  	[smem:$0x3FB0] =	sst s7  }
0x10: {  	[smem:$0x3FB1] =	sst s8  }
0x11: {  	[smem:$0x3FB2] =	sst s9;
	s0 =	simm.s32 @!p0 $0x0  }
0x12: {  	s1 =	sld [smem:$0x3F98];
	s0 =	simm.s32 @p0 $0x1  }
0x13: {  	[smem:$0x3FB3] =	sst s0;
	s0 =	simm.s32 @!p1 $0x0  }
0x14: {  	s2 =	sld [smem:$0x3F97];
	s0 =	simm.s32 @p1 $0x1  }
0x15: {  	[smem:$0x3FB4] =	sst s0;
	s0 =	simm.s32 @!p2 $0x0  }
0x16: {  	s3 =	sld [smem:$0x3FDB];
	s0 =	simm.s32 @p2 $0x1  }
0x17: {  	s4 =	simm.s32 $0x1BF5;
	[smem:$0x3FB6] =	sst s0  }
0x18: {  	s0 =	sld [smem:$0x3F99];
	_ =	swait.ge [sflag:s4], $0x0  }
0x19: {  	s7 =	sld [smem:$0x3F9A]  }
0x1a: {  	s8 =	sadd.s32 $0xFFFFE003, lr  }
0x1b: {  	s9 =	sadd.s32 $0xFFFFFEF7, lr;
	s5 =	simm.s32 $0xFFFFFFFF;
	p2 =	slt.u32 s8, $0xFFFFF086  }
0x1c: {  	p1 =	slt.u32 s9, $0xF7A;
	s5 =	simm.s32 @!p2 $0x0  }
0x1d: {  	s5 =	simm.s32 @p1 $0x1;
	p0 =	seq.s32 s7, s2  }
0x1e: {  	s7 =	smul.u32 @!p0 $0xF7A, s2;
	p2 =	seq.s32 @!p0 s5, $0x0  }
0x1f: {  	s9 =	smul.u32 $0xF7A, s1;
	s8 =	simm.s32 @!p0 $0x1BF5;
	p2 =	por !p2, p0  }
0x20: {  	[sflag:s8] =	ssyncset.s32 @!p0 $0xFFFFF086;
	s6 =	sadd.s32 @!p0 s3, s7;
	s7 =	simm.s32 @!p0 $0x108  }
0x21: {  	s3 =	sadd.s32 s3, s9;
	s6 =	sadd.s32 @!p0 $0x88, s6;
	s7 =	simm.s32 @p2 $0x1082  }
0x22: {  	[simem:s7], [sflag:s8] =	dma.local @!p0 [hbm:s6], $0xF7A  }
0x23: {  	s9 =	sor.u32 $0xD0000000, s2;
	s6 =	simm.s32 $0x108;
	_ =	swait.ge @!p0 [sflag:s8], $0x0  }
0x24: {  	s3 =	sadd.s32 $0x88, s3;
	s6 =	simm.s32 @!p1 $0x1082;
	[sflag:s4] =	ssyncset.s32 $0xFFFFF086  }
0x25: {  	[simem:s6], [sflag:s4] =	dma.local [hbm:s3], $0xF7A  }
0x26: {  	[smem:$0x3F9A] =	sst s1;
	(tag) =	ssettag s2;
	_ =	strace s9  }
0x27: {  	s1 =	sld [smem:$0x3FAA]  }
0x28: {  	s2 =	sld [smem:$0x3FAB]  }
0x29: {  	s4 =	sld [smem:$0x3FAD]  }
0x2a: {  	p0 =	seq.s32 s5, $0x0;
	s5 =	sld [smem:$0x3FAE]  }
0x2b: {  	s6 =	sld [smem:$0x3FAF]  }
0x2c: {  	s7 =	sld [smem:$0x3FB0]  }
0x2d: {  	s3 =	simm.s32 $0x108;
	s8 =	sld [smem:$0x3FB1]  }
0x2e: {  	s3 =	simm.s32 @!p0 $0x1082;
	s9 =	sld [smem:$0x3FB2]  }
0x2f: {  	lr =	sadd.s32 s0, s3;
	s0 =	sld [smem:$0x3FA9]  }
0x30: {  	s3 =	sld [smem:$0x3FAC]  }
0x31: {  	[smem:$0x3FB5] =	sst s10  }
0x32: {  	s10 =	sld [smem:$0x3FB3];
	_ =	sdelay $0x3  }
0x33: {  	p0 =	seq.s32 s10, $0x1;
	s10 =	sld [smem:$0x3FB5];
	_ =	sdelay $0x3  }
0x34: {  	[smem:$0x3FB5] =	sst s10  }
0x35: {  	s10 =	sld [smem:$0x3FB4];
	_ =	sdelay $0x3  }
0x36: {  	p1 =	seq.s32 s10, $0x1;
	s10 =	sld [smem:$0x3FB5];
	_ =	sdelay $0x3  }
0x37: {  	[smem:$0x3FB5] =	sst s10  }
0x38: {  	s10 =	sld [smem:$0x3FB6]  }
0x39: {  	_ = 	snop;
	(pc) =	sbr.ind lr, $3  }
0x3a: {  	_ = 	snop  }
0x3b: {  	_ = 	snop  }
0x3c: {  	p2 =	seq.s32 s10, $0x1;
	s10 =	sld [smem:$0x3FB5]  }
0x3d: {  	_ =	shalt  }
0x3e: {  	_ =	shalt  }
0x3f: {  	_ =	shalt  }
0x40: {  	_ =	shalt  }
0x41: {  	_ =	shalt  }
0x42: {  	_ =	shalt  }
0x43: {  	_ =	shalt  }
0x44: {  	_ =	shalt  }
0x45: {  	_ =	shalt  }
0x46: {  	_ =	shalt  }
0x47: {  	_ =	shalt  }
0x48: {  	_ =	shalt  }
0x49: {  	_ =	shalt  }
0x4a: {  	_ =	shalt  }
0x4b: {  	_ =	shalt  }
0x4c: {  	_ =	shalt  }
0x4d: {  	_ =	shalt  }
0x4e: {  	_ =	shalt  }
0x4f: {  	_ =	shalt  }
0x50: {  	_ =	shalt  }
0x51: {  	_ =	shalt  }
0x52: {  	_ =	shalt  }
0x53: {  	_ =	shalt  }
0x54: {  	_ =	shalt  }
0x55: {  	_ =	shalt  }
0x56: {  	_ =	shalt  }
0x57: {  	_ =	shalt  }
0x58: {  	_ =	shalt  }
0x59: {  	_ =	shalt  }
0x5a: {  	_ =	shalt  }
0x5b: {  	_ =	shalt  }
0x5c: {  	_ =	shalt  }
0x5d: {  	_ =	shalt  }
0x5e: {  	_ =	shalt  }
0x5f: {  	_ =	shalt  }
0x60: {  	_ =	shalt  }
0x61: {  	_ =	shalt  }
0x62: {  	_ =	shalt  }
0x63: {  	_ =	shalt  }
0x64: {  	_ =	shalt  }
0x65: {  	_ =	shalt  }
0x66: {  	_ =	shalt  }
0x67: {  	_ =	shalt  }
0x68: {  	_ =	shalt  }
0x69: {  	_ =	shalt  }
0x6a: {  	_ =	shalt  }
0x6b: {  	_ =	shalt  }
0x6c: {  	_ =	shalt  }
0x6d: {  	_ =	shalt  }
0x6e: {  	_ =	shalt  }
0x6f: {  	_ =	shalt  }
0x70: {  	_ =	shalt  }
0x71: {  	_ =	shalt  }
0x72: {  	_ =	shalt  }
0x73: {  	_ =	shalt  }
0x74: {  	_ =	shalt  }
0x75: {  	_ =	shalt  }
0x76: {  	_ =	shalt  }
0x77: {  	_ =	shalt  }
0x78: {  	_ =	shalt  }
0x79: {  	_ =	shalt  }
0x7a: {  	_ =	shalt  }
0x7b: {  	_ =	shalt  }
0x7c: {  	_ =	shalt  }
0x7d: {  	_ =	shalt  }
0x7e: {  	_ =	shalt  }
0x7f: {  	_ =	shalt  }
0x80: {  	_ =	shalt  }
0x81: {  	_ =	shalt  }
0x82: {  	_ =	shalt  }
0x83: {  	_ =	shalt  }
0x84: {  	_ =	shalt  }
0x85: {  	_ =	shalt  }
0x86: {  	_ =	shalt  }
0x87: {  	_ =	shalt  }
.Lfunc_end0:
.L_simem_size_0:
called_computation_lowered:
.L_overlay_start_0:
0x88: {  	s2 =	sld [smem:$0x3FD9]  }
0x89: {  	s3 =	sld [smem:$0x3FFE];
	_ =	sdelay $0x1  }
0x8a: {  	s1 =	srdreg.scid  }
0x8b: {  	s0 =	sand.u32 $0x1, s1  }
0x8c: {  	s17 =	sshll.u32 s0, $0xA;
	s2 =	sadd.s32 s3, s2  }
0x8d: {  	s2 =	sadd.s32 s2, s17  }
0x8e: {  	[smem:$0x3FC1] =	sst s2  }
0x8f: {  	_ = 	snop  }
0x90: {  	s2 =	sld [smem:$0x3FC9];
	(tm) =	ssettm $0x1  }
0x91: {  	s18 =	sld [smem:$0x3FFB];
	_ =	sdelay $0x3  }
0x92: {  	_ =	strace s18  }
0x93: {  	s3 =	sld [smem:$0x3FFC];
	_ =	sdelay $0x3  }
0x94: {  	_ =	strace s3  }
0x95: {  	s3 =	sld [smem:$0x3FFD];
	_ =	sdelay $0x3  }
0x96: {  	_ =	strace s3  }
0x97: {  	_ =	strace $0x8FFFFFFF  }
0x98: {  	s19 =	sld [smem:$0x3FDB];
	_ =	sdelay $0x1  }
0x99: {  	s4 =	simm.s32 $_scs_section_size  }
0x9a: {  	s5 =	simm.s32 $_size__tile_overlayer_lowered;
	s6 =	simm.s32 $_tile_overlayer_lowered  }
0x9b: {  	s22 =	simm.s32 $0x1BFF;
	s21 =	sshll.u32 s6, $0x1;
	s3 =	sadd.s32 s4, s19  }
0x9c: {  	s7 =	simm.s32 $0x0;
	s20 =	sshll.u32 s5, $0x1;
	s5 =	sadd.s32 s21, s3  }
0x9d: {  	[timem:s7], [sflag:s22] =	dma.local [hbm:s5], s20  }
0x9e: {  	_ =	swait.ge [sflag:s22], s20  }
0x9f: {  	s4 =	ssub.s32 $0x0, s20;
	[sflag:s22] =	ssyncset.done $0x0  }
0xa0: {  	[sflag:s22] =	ssyncadd.s32 s4;
	_ =	sdelay $0x1  }
0xa1: {  	s23 =	simm.s32 $0x1B8B  }
0xa2: {  	_ =	swait.ge [sflag:s23], $0x1  }
0xa3: {  	[sflag:s23] =	ssyncset.done $0x0  }
0xa4: {  	s25 =	simm.s32 $0x1B8E;
	s24 =	sld [smem:$0x3FFE];
	[sflag:s23] =	ssyncadd.s32 $0xFFFFFFFF  }
0xa5: {  	s26 =	simm.s32 $execute0_lowered;
	[smem:$0x3FD2] =	sst s25  }
0xa6: {  	s5 =	sshll.u32 s26, $0x1;
	_ =	strace $0x80000046;
	[dreg:$0x1] =	wrdreg $0xFFFFFFFF  }
0xa7: {  	s28 =	simm.s32 $_size_execute0_lowered;
	s3 =	sadd.s32 s3, s5;
	[dreg:$0x0] =	wrdreg $0x0  }
0xa8: {  	s5 =	sshll.u32 s28, $0x1;
	[dreg:$0x2] =	wrdreg s3  }
0xa9: {  	[dreg:$0x3] =	wrdreg s5  }
0xaa: {  	[dreg:$0x4] =	wrdreg $0xC0  }
0xab: {  	_ =	task [dreg:s7], $0x5FFFF  }
0xac: {  	[dreg:$0x1] =	wrdreg $0xFFFFFFFF  }
0xad: {  	[dreg:$0x0] =	wrdreg $0x60  }
0xae: {  	[dreg:$0x2] =	wrdreg s2  }
0xaf: {  	[dreg:$0x3] =	wrdreg s24  }
0xb0: {  	[dreg:$0x4] =	wrdreg $0x9  }
0xb1: {  	_ =	task.clear_ibuf [dreg:s7], $0x5FFFF;
	_ =	strace $0x90000046  }
0xb2: {  	s29 =	simm.s32 $0x9;
	_ =	strace $0x80000048  }
0xb3: {  	_ =	swait.ge [sflag:s29], $0x1  }
0xb4: {  	[sflag:s29] =	ssyncadd.s32 $0xFFFFFFFF  }
0xb5: {  	_ =	strace $0x90000048  }
0xb6: {  	_ =	sfence  }
0xb7: {  	s30 =	sld [smem:$0x0];
	_ =	sdelay $0x2  }
0xb8: {  	s31 =	sshll.u32 s1, $0xD;
	s1 =	sshrl.u32 s1, $0x2  }
0xb9: {  	s3 =	sand.u32 $0x4000, s31;
	s1 =	sadd.s32 s1, s30  }
0xba: {  	s0 =	sor.u32 s3, s0;
	s1 =	sshll.u32 s1, $0x11  }
0xbb: {  	s0 =	sor.u32 s1, s0  }
0xbc: {  	s0 =	sadd.s32 $0x8F2B, s0  }
0xbd: {  	[sflag:s0] =	ssyncadd.remote.s32 $0x1  }
0xbe: {  	_ =	sfence.sel $0xFFFF  }
0xbf: {  	[dreg:$0x0] =	wrdreg $0xFFFFFFFF;
	(pc) =	sbr.abs _section_cstart, $3  }
0xc0: {  	[dreg:$0x1] =	wrdreg $0xFFFFFFFF  }
0xc1: {  	_ =	task.clear_ibuf [dreg:s7], $0x2FFFF;
	_ =	strace $0x9FFFFFFF  }
0xc2: {  	(tm) =	ssettm $0x7FFFFFFF  }
0xc3: {  	_ =	shalt  }
tec
execute0_lowered:
.L_overlay_start_1:
0x0: {  	(tag) =	ssettag $0x1  }
0x1: {  	s1 =	srdreg.scid  }
0x2: {  	s3 =	rddreg [dreg:$0x0];
	s0 =	stileid.u32  }
0x3: {  	s5 =	rddreg [dreg:$0x1];
	s2 =	simm.s32 $0x0;
	s8 =	simm.s32 $0x80  }
0x4: {  	s26 =	simm.s32 $0x880;
	s9 =	simm.s32 $0x1080;
	s10 =	simm.s32 $0x1880  }
0x5: {  	s11 =	simm.s32 $0x2080;
	s12 =	simm.s32 $0x2880;
	s13 =	simm.s32 $0x3080  }
0x6: {  	s14 =	simm.s32 $0x3880;
	s15 =	simm.s32 $0x4080;
	s16 =	simm.s32 $0x4880  }
0x7: {  	s17 =	simm.s32 $0x5080;
	s18 =	simm.s32 $0x5880;
	s19 =	simm.s32 $0x6080  }
0x8: {  	s20 =	simm.s32 $0x6880;
	s21 =	simm.s32 $0x7080;
	s22 =	simm.s32 $0x7880  }
0x9: {  	s23 =	simm.s32 $0x8080;
	s24 =	simm.s32 $0x8880;
	s25 =	simm.s32 $0x9080  }
0xa: {  	s28 =	simm.s32 $0xA080;
	s29 =	simm.s32 $0xA880;
	s30 =	simm.s32 $0xB080  }
0xb: {  	s31 =	simm.s32 $0xB880;
	s1 =	sand.u32 $0x1, s1;
	[smem:$0x7FF] =	sst s2  }
0xc: {  	s4 =	sshll.u32 s0, $0x4;
	s6 =	sshll.u32 s1, $0x3;
	_ =	strace $0x80000047  }
0xd: {  	s1 =	ssub.s32 $0x2, s1;
	[dreg:$0x5] =	wrdreg s26;
	s4 =	sor.u32 s6, s4  }
0xe: {  	s7 =	sshrl.u32 s1, $0x1;
	s6 =	sadd.s32 s4, s5;
	s4 =	smul.u32 $0x300, s4  }
0xf: {  	s26 =	simm.s32 $0x9880;
	s1 =	ssub.s32 s1, s7;
	s6 =	sadd.s32 $0x1E00, s6  }
0x10: {  	v2 =	vlaneseq.u32;
	s7 =	simm.s32 $0x2;
	[dreg:$0x3] =	wrdreg s6;
	s4 =	sadd.s32 s3, s4  }
0x11: {  	vm0 =	vmmov $0xffff;
	v1 =	vshrl.u32 v2, $0x3;
	s3 =	sadd.s32 $0x2000, s5;
	s6 =	smax.u32 s1, $0x1;
	s1 =	simm.s32 $0x1  }
0x12: {  	v0 =	vand.u32 $0x7, v2;
	v2 =	vor.u32 $0x8, v2;
	v1 =	vmul.u32 $0x8, v1;
	[dreg:$0x4] =	wrdreg s4;
	s4 =	sadd.s32 $0x2100, s5;
	s5 =	sadd.s32 $0x2200, s5  }
.LBB2_1:
0x13: {  	s0 =	rddreg [dreg:$0x3]  }
0x14: {  	[tilespmem:s2], [sflag:$0x2] =	stream.linear.gather [hbm4b:s0+s2], $0x40, $0x38;
	[tilespmem:$0xC080] =	vst v63  }
0x15: {  	_ =	swait.ge [sflag:s7], $0x40  }
0x16: {  	[sflag:s7] =	ssyncset.done $0x0  }
0x17: {  	s0 =	rddreg [dreg:$0x4];
	[sflag:s7] =	ssyncadd.s32 $0xFFFFFFC0  }
0x18: {  	[tilespmem:s8], [sflag:$0x2] =	stream.linear.gather [hbm4b:s0+s2], $0xC000, $0x38;
	[tilespmem:$0xC080] =	vst v63  }
0x19: {  	_ =	swait.ge [sflag:s7], $0xC000  }
0x1a: {  	[sflag:s7] =	ssyncset.done $0x0  }
0x1b: {  	[sflag:s7] =	ssyncadd.s32 $0xFFFF4000  }
0x1c: {  	v3 =	vld [tilespmem:$0x0];
	_ =	sdelay $0x4  }
0x1d: {  	v4 =	vshrl.u32 v3, $0x3  }
0x1e: {  	v4 =	vmul.u32 $0x30, v4  }
0x1f: {  	v3 =	vand.u32 $0x7, v3  }
0x20: {  	v3 =	vor.u32 v3, v4  }
0x21: {  	v4 =	vperm.xlane v3, v0;
	_ =	sdelay $0x1  }
0x22: {  	v4 =	vadd.s32 v1, v4;
	_ =	sdelay $0x3  }
0x23: {  	v3 =	vperm.xlane v3, v2  }
0x24: {  	[hbm4b:s3+s2] =	stream.indirect_vreg.scatter [tilespmem:s8], [sflag:$0x1], $0x80, v4, vm0, $0xb8;
	[tilespmem:$0xC080] =	vst v63  }
0x25: {  	s0 =	rddreg [dreg:$0x5];
	v3 =	vadd.s32 v1, v3  }
0x26: {  	[hbm4b:s4+s2] =	stream.indirect_vreg.scatter [tilespmem:s0], [sflag:$0x1], $0x80, v4, vm0, $0xb8;
	[tilespmem:$0xC080] =	vst v63  }
0x27: {  	_ = 	snop  }
0x28: {  	[hbm4b:s5+s2] =	stream.indirect_vreg.scatter [tilespmem:s9], [sflag:$0x1], $0x80, v4, vm0, $0xb8;
	[tilespmem:$0xC080] =	vst v63  }
0x29: {  	_ = 	snop  }
0x2a: {  	[hbm4b:s3+s2] =	stream.indirect_vreg.scatter [tilespmem:s10], [sflag:$0x1], $0x80, v3, vm0, $0xb8;
	[tilespmem:$0xC080] =	vst v63  }
0x2b: {  	_ = 	snop  }
0x2c: {  	[hbm4b:s4+s2] =	stream.indirect_vreg.scatter [tilespmem:s11], [sflag:$0x1], $0x80, v3, vm0, $0xb8;
	[tilespmem:$0xC080] =	vst v63  }
0x2d: {  	_ = 	snop  }
0x2e: {  	[hbm4b:s5+s2] =	stream.indirect_vreg.scatter [tilespmem:s12], [sflag:$0x1], $0x80, v3, vm0, $0xb8;
	[tilespmem:$0xC080] =	vst v63  }
0x2f: {  	v3 =	vld [tilespmem:$0x10];
	_ =	sdelay $0x4  }
0x30: {  	v61 =	vshrl.u32 v3, $0x3  }
0x31: {  	v4 =	vmul.u32 $0x30, v61  }
0x32: {  	v3 =	vand.u32 $0x7, v3  }
0x33: {  	v3 =	vor.u32 v3, v4  }
0x34: {  	v4 =	vperm.xlane v3, v0;
	_ =	sdelay $0x1  }
0x35: {  	v4 =	vadd.s32 v1, v4;
	_ =	sdelay $0x3  }
0x36: {  	v3 =	vperm.xlane v3, v2  }
0x37: {  	[hbm4b:s3+s2] =	stream.indirect_vreg.scatter [tilespmem:s13], [sflag:$0x1], $0x80, v4, vm0, $0xb8;
	[tilespmem:$0xC080] =	vst v63  }
0x38: {  	v3 =	vadd.s32 v1, v3  }
0x39: {  	[hbm4b:s4+s2] =	stream.indirect_vreg.scatter [tilespmem:s14], [sflag:$0x1], $0x80, v4, vm0, $0xb8;
	[tilespmem:$0xC080] =	vst v63  }
0x3a: {  	_ = 	snop  }
0x3b: {  	[hbm4b:s5+s2] =	stream.indirect_vreg.scatter [tilespmem:s15], [sflag:$0x1], $0x80, v4, vm0, $0xb8;
	[tilespmem:$0xC080] =	vst v63  }
0x3c: {  	_ = 	snop  }
0x3d: {  	[hbm4b:s3+s2] =	stream.indirect_vreg.scatter [tilespmem:s16], [sflag:$0x1], $0x80, v3, vm0, $0xb8;
	[tilespmem:$0xC080] =	vst v63  }
0x3e: {  	_ = 	snop  }
0x3f: {  	[hbm4b:s4+s2] =	stream.indirect_vreg.scatter [tilespmem:s17], [sflag:$0x1], $0x80, v3, vm0, $0xb8;
	[tilespmem:$0xC080] =	vst v63  }
0x40: {  	_ = 	snop  }
0x41: {  	[hbm4b:s5+s2] =	stream.indirect_vreg.scatter [tilespmem:s18], [sflag:$0x1], $0x80, v3, vm0, $0xb8;
	[tilespmem:$0xC080] =	vst v63  }
0x42: {  	v3 =	vld [tilespmem:$0x20];
	_ =	sdelay $0x4  }
0x43: {  	v62 =	vshrl.u32 v3, $0x3  }
0x44: {  	v4 =	vmul.u32 $0x30, v62  }
0x45: {  	v3 =	vand.u32 $0x7, v3  }
0x46: {  	v3 =	vor.u32 v3, v4  }
0x47: {  	v4 =	vperm.xlane v3, v0;
	_ =	sdelay $0x1  }
0x48: {  	v4 =	vadd.s32 v1, v4;
	_ =	sdelay $0x3  }
0x49: {  	v3 =	vperm.xlane v3, v2  }
0x4a: {  	[hbm4b:s3+s2] =	stream.indirect_vreg.scatter [tilespmem:s19], [sflag:$0x1], $0x80, v4, vm0, $0xb8;
	[tilespmem:$0xC080] =	vst v63  }
0x4b: {  	v3 =	vadd.s32 v1, v3  }
0x4c: {  	[hbm4b:s4+s2] =	stream.indirect_vreg.scatter [tilespmem:s20], [sflag:$0x1], $0x80, v4, vm0, $0xb8;
	[tilespmem:$0xC080] =	vst v63  }
0x4d: {  	_ = 	snop  }
0x4e: {  	[hbm4b:s5+s2] =	stream.indirect_vreg.scatter [tilespmem:s21], [sflag:$0x1], $0x80, v4, vm0, $0xb8;
	[tilespmem:$0xC080] =	vst v63  }
0x4f: {  	_ = 	snop  }
0x50: {  	[hbm4b:s3+s2] =	stream.indirect_vreg.scatter [tilespmem:s22], [sflag:$0x1], $0x80, v3, vm0, $0xb8;
	[tilespmem:$0xC080] =	vst v63  }
0x51: {  	_ = 	snop  }
0x52: {  	[hbm4b:s4+s2] =	stream.indirect_vreg.scatter [tilespmem:s23], [sflag:$0x1], $0x80, v3, vm0, $0xb8;
	[tilespmem:$0xC080] =	vst v63  }
0x53: {  	_ = 	snop  }
0x54: {  	[hbm4b:s5+s2] =	stream.indirect_vreg.scatter [tilespmem:s24], [sflag:$0x1], $0x80, v3, vm0, $0xb8;
	[tilespmem:$0xC080] =	vst v63  }
0x55: {  	v3 =	vld [tilespmem:$0x30];
	_ =	sdelay $0x4  }
0x56: {  	v63 =	vshrl.u32 v3, $0x3  }
0x57: {  	v4 =	vmul.u32 $0x30, v63  }
0x58: {  	v3 =	vand.u32 $0x7, v3  }
0x59: {  	v3 =	vor.u32 v3, v4  }
0x5a: {  	v4 =	vperm.xlane v3, v0;
	_ =	sdelay $0x1  }
0x5b: {  	v4 =	vadd.s32 v1, v4;
	_ =	sdelay $0x3  }
0x5c: {  	v3 =	vperm.xlane v3, v2  }
0x5d: {  	[hbm4b:s3+s2] =	stream.indirect_vreg.scatter [tilespmem:s25], [sflag:$0x1], $0x80, v4, vm0, $0xb8;
	[tilespmem:$0xC080] =	vst v63  }
0x5e: {  	v3 =	vadd.s32 v1, v3  }
0x5f: {  	[hbm4b:s4+s2] =	stream.indirect_vreg.scatter [tilespmem:s26], [sflag:$0x1], $0x80, v4, vm0, $0xb8;
	[tilespmem:$0xC080] =	vst v63  }
0x60: {  	_ = 	snop  }
0x61: {  	[hbm4b:s5+s2] =	stream.indirect_vreg.scatter [tilespmem:s28], [sflag:$0x1], $0x80, v4, vm0, $0xb8;
	[tilespmem:$0xC080] =	vst v63  }
0x62: {  	_ = 	snop  }
0x63: {  	[hbm4b:s3+s2] =	stream.indirect_vreg.scatter [tilespmem:s29], [sflag:$0x1], $0x80, v3, vm0, $0xb8;
	[tilespmem:$0xC080] =	vst v63  }
0x64: {  	p0 =	sne.s32 s6, $0x1  }
0x65: {  	[hbm4b:s4+s2] =	stream.indirect_vreg.scatter [tilespmem:s30], [sflag:$0x1], $0x80, v3, vm0, $0xb8;
	[tilespmem:$0xC080] =	vst v63  }
.Ltmp0:
0x66: {  	_ = 	snop;
	(pc) =	sbr.rel @p0 .LBB2_1-.Ltmp0, $4  }
0x67: {  	[hbm4b:s5+s2] =	stream.indirect_vreg.scatter [tilespmem:s31], [sflag:$0x1], $0x80, v3, vm0, $0xb8;
	[tilespmem:$0xC080] =	vst v63  }
0x68: {  	_ =	swait.ge [sflag:s1], $0xC000  }
0x69: {  	[sflag:s1] =	ssyncset.done $0x0  }
0x6a: {  	s6 =	sadd.s32 $0xFFFFFFFF, s6;
	[sflag:s1] =	ssyncadd.s32 $0xFFFF4000  }
0x6b: {  	_ =	sfence.sel $0x180000  }
0x6c: {  	[bflag:$0x0] =	sbarrier.arrive $0xFFFF  }
0x6d: {  	_ =	strace $0x90000047  }
0x6e: {  	s0 =	stileid.u32;
	[bflag:$0x2] =	sbarrier.arrive $0xFFFF  }
0x6f: {  	p0 =	sne.s32 s0, $0x0;
	s0 =	rddreg [dreg:$0x2]  }
0x70: {  	s0 =	sadd.s32 @!p0 $0x100000, s0  }
0x71: {  	[sflag:s0] =	ssyncadd.tile.s32 @!p0 $0x1;
	_ =	shalt  }
.Lfunc_end2:
_tile_overlayer_lowered:
.L_overlay_start_2:
0x72: {  	(tag) =	ssettag $0x2  }
0x73: {  	s0 =	rddreg [dreg:$0x0];
	s2 =	stileid.u32  }
0x74: {  	s1 =	rddreg [dreg:$0x1];
	p0 =	sne.s32 s2, $0x0  }
0x75: {  	s3 =	rddreg [dreg:$0x2];
	[bflag:$0x3] =	sbarrier.arrive $0xFFFF;
	s2 =	simm.s32 @!p0 $0x1C02  }
0x76: {  	[timem:s3], [sflag:s2] =	dma.local @!p0 [hbm:s0], s1  }
0x77: {  	s0 =	simm.s32 @!p0 $0x2  }
0x78: {  	_ =	swait.ge @!p0 [sflag:s0], s1  }
0x79: {  	s1 =	ssub.s32 @!p0 $0x0, s1;
	[sflag:s0] =	ssyncset.done @!p0 $0x0  }
0x7a: {  	[sflag:s0] =	ssyncadd.s32 @!p0 s1  }
0x7b: {  	[bflag:$0x3] =	sbarrier.arrive $0xFFFF  }
0x7c: {  	_ =	shalt  }

</sc_bundles>
